<compile_context>
chip_gen: v7x
topology: tpu7x:2x2x1
jax: 0.10.2.dev20260603
libtpu: 0.0.44.dev20260713+nightly
codegen_flags: <defaults>
</compile_context>

<pallas_src>
import jax
import jax.numpy as jnp
from jax.experimental import pallas as pl
from jax.experimental.pallas import tpu as pltpu

_D = 512
_P = 8
_T = 128
_G = 4
_NG = _T // _G
_K = _G * _P
_N = _G * _D
_BB = 8


def _body(x_ref, ws_ref, brep_ref, pos_ref, o_ref):
    x = x_ref[...]
    brep = brep_ref[...]
    for g in range(_NG):
        xg = x[:, _K * g:_K * (g + 1)]
        yg = jax.lax.dot_general(
            xg, ws_ref[...],
            (((1,), (0,)), ((), ())),
            preferred_element_type=jnp.float32,
        )
        padd = pos_ref[0:1, _N * g:_N * (g + 1)]
        o_ref[:, _N * g:_N * (g + 1)] = yg + padd + brep


def kernel(inputs, W_proj, b_proj, pos_table):
    B = inputs.shape[0]
    W_stack = jax.scipy.linalg.block_diag(*([W_proj] * _G))
    b_rep = jnp.tile(b_proj, _G).reshape(1, _N)
    pos2d = pos_table[:_T].reshape(1, _T * _D)
    out2d = pl.pallas_call(
        _body,
        grid=(B // _BB,),
        in_specs=[
            pl.BlockSpec((_BB, _T * _P), lambda i: (i, 0)),
            pl.BlockSpec((_K, _N), lambda i: (0, 0)),
            pl.BlockSpec((1, _N), lambda i: (0, 0)),
            pl.BlockSpec((1, _T * _D), lambda i: (0, 0)),
        ],
        out_specs=pl.BlockSpec((_BB, _T * _D), lambda i: (i, 0)),
        out_shape=jax.ShapeDtypeStruct((B, _T * _D), jnp.float32),
        compiler_params=pltpu.CompilerParams(
            dimension_semantics=("arbitrary",),
        ),
    )(inputs, W_stack, b_rep, pos2d)
    return out2d.reshape(B, _T, _D)

# --- scband reference (transcript-rebuilt; emitter-appended) ---
"""Pipeline reference for scband-spectral-encoding-67181878444427 (READ-ONLY COPY).

The authoritative reference and input builder live on the scoring server;
editing this copy changes nothing except your own understanding.
"""

import jax, jax.numpy as jnp
import numpy as np

D_MODEL = 512
MAX_POS_LEN = 256
CONT_MAX_LEN = 1024
PATCH = 8
NUM_TOKENS = CONT_MAX_LEN // PATCH  # 128
BATCH = 1024


def setup_inputs(seed: int = 0) -> dict:
    key = jax.random.key(seed)
    k1, k2, k3, k4 = jax.random.split(key, 4)
    inputs = jax.random.normal(k1, (BATCH, CONT_MAX_LEN), dtype=jnp.float32)
    # ContinuousSpectralEncoding: linear patch projection patch_size -> d_model (bias since no_bias=False)
    W_proj = jax.random.normal(k2, (PATCH, D_MODEL), dtype=jnp.float32) * (1.0 / np.sqrt(PATCH))
    b_proj = jnp.zeros((D_MODEL,), dtype=jnp.float32)
    # nn.Embedding(max_pos_len, d_model)
    pos_table = jax.random.normal(k3, (MAX_POS_LEN, D_MODEL), dtype=jnp.float32) * 0.02
    return {"inputs": inputs, "W_proj": W_proj, "b_proj": b_proj, "pos_table": pos_table}


def reference(inputs, W_proj, b_proj, pos_table):
    B = inputs.shape[0]
    # ContinuousSpectralEncoding forward: patchify + linear projection
    patches = inputs.reshape(B, NUM_TOKENS, PATCH)
    spectral_embeds = jnp.einsum("btp,pd->btd", patches, W_proj) + b_proj
    # positional embedding lookup: table[arange(num_tokens)]
    pos_idx = jnp.arange(spectral_embeds.shape[1])
    spectral_pos_embeds = jnp.take(pos_table, pos_idx, axis=0)
    return spectral_embeds + spectral_pos_embeds

if __name__ == "__main__":
    import jax
    _d = setup_inputs()
    print(jax.jit(kernel)(*tuple(_d.values())))

</pallas_src>

<mosaic_0001>
module attributes {stable_mosaic.version = 14 : i64} {
  func.func @_body(%arg0: i32, %arg1: memref<8x1024xf32, #tpu.memory_space<vmem>>, %arg2: memref<32x2048xf32, #tpu.memory_space<vmem>>, %arg3: memref<1x2048xf32, #tpu.memory_space<vmem>>, %arg4: memref<1x65536xf32, #tpu.memory_space<vmem>>, %arg5: memref<8x65536xf32, #tpu.memory_space<vmem>>) attributes {dimension_semantics = [#tpu.dimension_semantics<arbitrary>], iteration_bounds = array<i64: 128>, scalar_prefetch = 0 : i64, scratch_operands = 0 : i64, tpu.core_type = #tpu.core_type<tc>, window_params = [{transform_indices = @transform_0, window_bounds = array<i64: 8, 1024>}, {pipeline_mode = #tpu.pipeline_mode<synchronous>, transform_indices = @transform_1, window_bounds = array<i64: 32, 2048>}, {pipeline_mode = #tpu.pipeline_mode<synchronous>, transform_indices = @transform_2, window_bounds = array<i64: 1, 2048>}, {pipeline_mode = #tpu.pipeline_mode<synchronous>, transform_indices = @transform_3, window_bounds = array<i64: 1, 65536>}, {transform_indices = @transform_4, window_bounds = array<i64: 8, 65536>}]} {
    %get3A = arith.constant 0 : index
    %get3A_0 = arith.constant 0 : index
    %get3A_1 = vector.load %arg1[%get3A, %get3A_0] : memref<8x1024xf32, #tpu.memory_space<vmem>>, vector<8x1024xf32>
    %get3A_2 = arith.constant 0 : index
    %get3A_3 = arith.constant 0 : index
    %get3A_4 = vector.load %arg3[%get3A_2, %get3A_3] : memref<1x2048xf32, #tpu.memory_space<vmem>>, vector<1x2048xf32>
    %slice3A = vector.extract_strided_slice %get3A_1 {offsets = [0, 0], sizes = [8, 32], strides = [1, 1]} : vector<8x1024xf32> to vector<8x32xf32>
    %get3A_5 = arith.constant 0 : index
    %get3A_6 = arith.constant 0 : index
    %get3A_7 = vector.load %arg2[%get3A_5, %get3A_6] : memref<32x2048xf32, #tpu.memory_space<vmem>>, vector<32x2048xf32>
    %dot_general3A = arith.constant dense<0.000000e+00> : vector<8x2048xf32>
    %dot_general3A_8 = tpu.matmul %slice3A, %get3A_7, %dot_general3A {dimension_numbers = #tpu.dot_dimension_numbers<[1], [0], [0], [1], [0, 0, 1, 1], [], []>, transpose_lhs_hint = false} : vector<8x32xf32>, vector<32x2048xf32>, vector<8x2048xf32> -> vector<8x2048xf32>
    %get3A_9 = arith.constant 0 : index
    %get3A_10 = arith.constant 0 : index
    %get3A_11 = vector.load %arg4[%get3A_9, %get3A_10] : memref<1x65536xf32, #tpu.memory_space<vmem>>, vector<1x2048xf32>
    %add3A = vector.broadcast %get3A_11 : vector<1x2048xf32> to vector<8x2048xf32>
    %add3A_12 = arith.addf %dot_general3A_8, %add3A : vector<8x2048xf32>
    %add3A_13 = vector.broadcast %get3A_4 : vector<1x2048xf32> to vector<8x2048xf32>
    %add3A_14 = arith.addf %add3A_12, %add3A_13 : vector<8x2048xf32>
    %swap3A = arith.constant 0 : index
    %swap3A_15 = arith.constant 0 : index
    %swap3A_16 = vector.load %arg5[%swap3A, %swap3A_15] : memref<8x65536xf32, #tpu.memory_space<vmem>>, vector<8x2048xf32>
    tpu.vector_store %arg5[%swap3A, %swap3A_15], %add3A_14 {strides = array<i32>} : memref<8x65536xf32, #tpu.memory_space<vmem>>, vector<8x2048xf32>,
    %slice3A_17 = vector.extract_strided_slice %get3A_1 {offsets = [0, 32], sizes = [8, 32], strides = [1, 1]} : vector<8x1024xf32> to vector<8x32xf32>
    %get3A_18 = arith.constant 0 : index
    %get3A_19 = arith.constant 0 : index
    %get3A_20 = vector.load %arg2[%get3A_18, %get3A_19] : memref<32x2048xf32, #tpu.memory_space<vmem>>, vector<32x2048xf32>
    %dot_general3A_21 = arith.constant dense<0.000000e+00> : vector<8x2048xf32>
    %dot_general3A_22 = tpu.matmul %slice3A_17, %get3A_20, %dot_general3A_21 {dimension_numbers = #tpu.dot_dimension_numbers<[1], [0], [0], [1], [0, 0, 1, 1], [], []>, transpose_lhs_hint = false} : vector<8x32xf32>, vector<32x2048xf32>, vector<8x2048xf32> -> vector<8x2048xf32>
    %get3A_23 = arith.constant 0 : index
    %get3A_24 = arith.constant 2048 : index
    %get3A_25 = vector.load %arg4[%get3A_23, %get3A_24] : memref<1x65536xf32, #tpu.memory_space<vmem>>, vector<1x2048xf32>
    %add3A_26 = vector.broadcast %get3A_25 : vector<1x2048xf32> to vector<8x2048xf32>
    %add3A_27 = arith.addf %dot_general3A_22, %add3A_26 : vector<8x2048xf32>
    %add3A_28 = vector.broadcast %get3A_4 : vector<1x2048xf32> to vector<8x2048xf32>
    %add3A_29 = arith.addf %add3A_27, %add3A_28 : vector<8x2048xf32>
    %swap3A_30 = arith.constant 0 : index
    %swap3A_31 = arith.constant 2048 : index
    %swap3A_32 = vector.load %arg5[%swap3A_30, %swap3A_31] : memref<8x65536xf32, #tpu.memory_space<vmem>>, vector<8x2048xf32>
    tpu.vector_store %arg5[%swap3A_30, %swap3A_31], %add3A_29 {strides = array<i32>} : memref<8x65536xf32, #tpu.memory_space<vmem>>, vector<8x2048xf32>,
    %slice3A_33 = vector.extract_strided_slice %get3A_1 {offsets = [0, 64], sizes = [8, 32], strides = [1, 1]} : vector<8x1024xf32> to vector<8x32xf32>
    %get3A_34 = arith.constant 0 : index
    %get3A_35 = arith.constant 0 : index
    %get3A_36 = vector.load %arg2[%get3A_34, %get3A_35] : memref<32x2048xf32, #tpu.memory_space<vmem>>, vector<32x2048xf32>
    %dot_general3A_37 = arith.constant dense<0.000000e+00> : vector<8x2048xf32>
    %dot_general3A_38 = tpu.matmul %slice3A_33, %get3A_36, %dot_general3A_37 {dimension_numbers = #tpu.dot_dimension_numbers<[1], [0], [0], [1], [0, 0, 1, 1], [], []>, transpose_lhs_hint = false} : vector<8x32xf32>, vector<32x2048xf32>, vector<8x2048xf32> -> vector<8x2048xf32>
    %get3A_39 = arith.constant 0 : index
    %get3A_40 = arith.constant 4096 : index
    %get3A_41 = vector.load %arg4[%get3A_39, %get3A_40] : memref<1x65536xf32, #tpu.memory_space<vmem>>, vector<1x2048xf32>
    %add3A_42 = vector.broadcast %get3A_41 : vector<1x2048xf32> to vector<8x2048xf32>
    %add3A_43 = arith.addf %dot_general3A_38, %add3A_42 : vector<8x2048xf32>
    %add3A_44 = vector.broadcast %get3A_4 : vector<1x2048xf32> to vector<8x2048xf32>
    %add3A_45 = arith.addf %add3A_43, %add3A_44 : vector<8x2048xf32>
    %swap3A_46 = arith.constant 0 : index
    %swap3A_47 = arith.constant 4096 : index
    %swap3A_48 = vector.load %arg5[%swap3A_46, %swap3A_47] : memref<8x65536xf32, #tpu.memory_space<vmem>>, vector<8x2048xf32>
    tpu.vector_store %arg5[%swap3A_46, %swap3A_47], %add3A_45 {strides = array<i32>} : memref<8x65536xf32, #tpu.memory_space<vmem>>, vector<8x2048xf32>,
    %slice3A_49 = vector.extract_strided_slice %get3A_1 {offsets = [0, 96], sizes = [8, 32], strides = [1, 1]} : vector<8x1024xf32> to vector<8x32xf32>
    %get3A_50 = arith.constant 0 : index
    %get3A_51 = arith.constant 0 : index
    %get3A_52 = vector.load %arg2[%get3A_50, %get3A_51] : memref<32x2048xf32, #tpu.memory_space<vmem>>, vector<32x2048xf32>
    %dot_general3A_53 = arith.constant dense<0.000000e+00> : vector<8x2048xf32>
    %dot_general3A_54 = tpu.matmul %slice3A_49, %get3A_52, %dot_general3A_53 {dimension_numbers = #tpu.dot_dimension_numbers<[1], [0], [0], [1], [0, 0, 1, 1], [], []>, transpose_lhs_hint = false} : vector<8x32xf32>, vector<32x2048xf32>, vector<8x2048xf32> -> vector<8x2048xf32>
    %get3A_55 = arith.constant 0 : index
    %get3A_56 = arith.constant 6144 : index
    %get3A_57 = vector.load %arg4[%get3A_55, %get3A_56] : memref<1x65536xf32, #tpu.memory_space<vmem>>, vector<1x2048xf32>
    %add3A_58 = vector.broadcast %get3A_57 : vector<1x2048xf32> to vector<8x2048xf32>
    %add3A_59 = arith.addf %dot_general3A_54, %add3A_58 : vector<8x2048xf32>
    %add3A_60 = vector.broadcast %get3A_4 : vector<1x2048xf32> to vector<8x2048xf32>
    %add3A_61 = arith.addf %add3A_59, %add3A_60 : vector<8x2048xf32>
    %swap3A_62 = arith.constant 0 : index
    %swap3A_63 = arith.constant 6144 : index
    %swap3A_64 = vector.load %arg5[%swap3A_62, %swap3A_63] : memref<8x65536xf32, #tpu.memory_space<vmem>>, vector<8x2048xf32>
    tpu.vector_store %arg5[%swap3A_62, %swap3A_63], %add3A_61 {strides = array<i32>} : memref<8x65536xf32, #tpu.memory_space<vmem>>, vector<8x2048xf32>,
    %slice3A_65 = vector.extract_strided_slice %get3A_1 {offsets = [0, 128], sizes = [8, 32], strides = [1, 1]} : vector<8x1024xf32> to vector<8x32xf32>
    %get3A_66 = arith.constant 0 : index
    %get3A_67 = arith.constant 0 : index
    %get3A_68 = vector.load %arg2[%get3A_66, %get3A_67] : memref<32x2048xf32, #tpu.memory_space<vmem>>, vector<32x2048xf32>
    %dot_general3A_69 = arith.constant dense<0.000000e+00> : vector<8x2048xf32>
    %dot_general3A_70 = tpu.matmul %slice3A_65, %get3A_68, %dot_general3A_69 {dimension_numbers = #tpu.dot_dimension_numbers<[1], [0], [0], [1], [0, 0, 1, 1], [], []>, transpose_lhs_hint = false} : vector<8x32xf32>, vector<32x2048xf32>, vector<8x2048xf32> -> vector<8x2048xf32>
    %get3A_71 = arith.constant 0 : index
    %get3A_72 = arith.constant 8192 : index
    %get3A_73 = vector.load %arg4[%get3A_71, %get3A_72] : memref<1x65536xf32, #tpu.memory_space<vmem>>, vector<1x2048xf32>
    %add3A_74 = vector.broadcast %get3A_73 : vector<1x2048xf32> to vector<8x2048xf32>
    %add3A_75 = arith.addf %dot_general3A_70, %add3A_74 : vector<8x2048xf32>
    %add3A_76 = vector.broadcast %get3A_4 : vector<1x2048xf32> to vector<8x2048xf32>
    %add3A_77 = arith.addf %add3A_75, %add3A_76 : vector<8x2048xf32>
    %swap3A_78 = arith.constant 0 : index
    %swap3A_79 = arith.constant 8192 : index
    %swap3A_80 = vector.load %arg5[%swap3A_78, %swap3A_79] : memref<8x65536xf32, #tpu.memory_space<vmem>>, vector<8x2048xf32>
    tpu.vector_store %arg5[%swap3A_78, %swap3A_79], %add3A_77 {strides = array<i32>} : memref<8x65536xf32, #tpu.memory_space<vmem>>, vector<8x2048xf32>,
    %slice3A_81 = vector.extract_strided_slice %get3A_1 {offsets = [0, 160], sizes = [8, 32], strides = [1, 1]} : vector<8x1024xf32> to vector<8x32xf32>
    %get3A_82 = arith.constant 0 : index
    %get3A_83 = arith.constant 0 : index
    %get3A_84 = vector.load %arg2[%get3A_82, %get3A_83] : memref<32x2048xf32, #tpu.memory_space<vmem>>, vector<32x2048xf32>
    %dot_general3A_85 = arith.constant dense<0.000000e+00> : vector<8x2048xf32>
    %dot_general3A_86 = tpu.matmul %slice3A_81, %get3A_84, %dot_general3A_85 {dimension_numbers = #tpu.dot_dimension_numbers<[1], [0], [0], [1], [0, 0, 1, 1], [], []>, transpose_lhs_hint = false} : vector<8x32xf32>, vector<32x2048xf32>, vector<8x2048xf32> -> vector<8x2048xf32>
    %get3A_87 = arith.constant 0 : index
    %get3A_88 = arith.constant 10240 : index
    %get3A_89 = vector.load %arg4[%get3A_87, %get3A_88] : memref<1x65536xf32, #tpu.memory_space<vmem>>, vector<1x2048xf32>
    %add3A_90 = vector.broadcast %get3A_89 : vector<1x2048xf32> to vector<8x2048xf32>
    %add3A_91 = arith.addf %dot_general3A_86, %add3A_90 : vector<8x2048xf32>
    %add3A_92 = vector.broadcast %get3A_4 : vector<1x2048xf32> to vector<8x2048xf32>
    %add3A_93 = arith.addf %add3A_91, %add3A_92 : vector<8x2048xf32>
    %swap3A_94 = arith.constant 0 : index
    %swap3A_95 = arith.constant 10240 : index
    %swap3A_96 = vector.load %arg5[%swap3A_94, %swap3A_95] : memref<8x65536xf32, #tpu.memory_space<vmem>>, vector<8x2048xf32>
    tpu.vector_store %arg5[%swap3A_94, %swap3A_95], %add3A_93 {strides = array<i32>} : memref<8x65536xf32, #tpu.memory_space<vmem>>, vector<8x2048xf32>,
    %slice3A_97 = vector.extract_strided_slice %get3A_1 {offsets = [0, 192], sizes = [8, 32], strides = [1, 1]} : vector<8x1024xf32> to vector<8x32xf32>
    %get3A_98 = arith.constant 0 : index
    %get3A_99 = arith.constant 0 : index
    %get3A_100 = vector.load %arg2[%get3A_98, %get3A_99] : memref<32x2048xf32, #tpu.memory_space<vmem>>, vector<32x2048xf32>
    %dot_general3A_101 = arith.constant dense<0.000000e+00> : vector<8x2048xf32>
    %dot_general3A_102 = tpu.matmul %slice3A_97, %get3A_100, %dot_general3A_101 {dimension_numbers = #tpu.dot_dimension_numbers<[1], [0], [0], [1], [0, 0, 1, 1], [], []>, transpose_lhs_hint = false} : vector<8x32xf32>, vector<32x2048xf32>, vector<8x2048xf32> -> vector<8x2048xf32>
    %get3A_103 = arith.constant 0 : index
    %get3A_104 = arith.constant 12288 : index
    %get3A_105 = vector.load %arg4[%get3A_103, %get3A_104] : memref<1x65536xf32, #tpu.memory_space<vmem>>, vector<1x2048xf32>
    %add3A_106 = vector.broadcast %get3A_105 : vector<1x2048xf32> to vector<8x2048xf32>
    %add3A_107 = arith.addf %dot_general3A_102, %add3A_106 : vector<8x2048xf32>
    %add3A_108 = vector.broadcast %get3A_4 : vector<1x2048xf32> to vector<8x2048xf32>
    %add3A_109 = arith.addf %add3A_107, %add3A_108 : vector<8x2048xf32>
    %swap3A_110 = arith.constant 0 : index
    %swap3A_111 = arith.constant 12288 : index
    %swap3A_112 = vector.load %arg5[%swap3A_110, %swap3A_111] : memref<8x65536xf32, #tpu.memory_space<vmem>>, vector<8x2048xf32>
    tpu.vector_store %arg5[%swap3A_110, %swap3A_111], %add3A_109 {strides = array<i32>} : memref<8x65536xf32, #tpu.memory_space<vmem>>, vector<8x2048xf32>,
    %slice3A_113 = vector.extract_strided_slice %get3A_1 {offsets = [0, 224], sizes = [8, 32], strides = [1, 1]} : vector<8x1024xf32> to vector<8x32xf32>
    %get3A_114 = arith.constant 0 : index
    %get3A_115 = arith.constant 0 : index
    %get3A_116 = vector.load %arg2[%get3A_114, %get3A_115] : memref<32x2048xf32, #tpu.memory_space<vmem>>, vector<32x2048xf32>
    %dot_general3A_117 = arith.constant dense<0.000000e+00> : vector<8x2048xf32>
    %dot_general3A_118 = tpu.matmul %slice3A_113, %get3A_116, %dot_general3A_117 {dimension_numbers = #tpu.dot_dimension_numbers<[1], [0], [0], [1], [0, 0, 1, 1], [], []>, transpose_lhs_hint = false} : vector<8x32xf32>, vector<32x2048xf32>, vector<8x2048xf32> -> vector<8x2048xf32>
    %get3A_119 = arith.constant 0 : index
    %get3A_120 = arith.constant 14336 : index
    %get3A_121 = vector.load %arg4[%get3A_119, %get3A_120] : memref<1x65536xf32, #tpu.memory_space<vmem>>, vector<1x2048xf32>
    %add3A_122 = vector.broadcast %get3A_121 : vector<1x2048xf32> to vector<8x2048xf32>
    %add3A_123 = arith.addf %dot_general3A_118, %add3A_122 : vector<8x2048xf32>
    %add3A_124 = vector.broadcast %get3A_4 : vector<1x2048xf32> to vector<8x2048xf32>
    %add3A_125 = arith.addf %add3A_123, %add3A_124 : vector<8x2048xf32>
    %swap3A_126 = arith.constant 0 : index
    %swap3A_127 = arith.constant 14336 : index
    %swap3A_128 = vector.load %arg5[%swap3A_126, %swap3A_127] : memref<8x65536xf32, #tpu.memory_space<vmem>>, vector<8x2048xf32>
    tpu.vector_store %arg5[%swap3A_126, %swap3A_127], %add3A_125 {strides = array<i32>} : memref<8x65536xf32, #tpu.memory_space<vmem>>, vector<8x2048xf32>,
    %slice3A_129 = vector.extract_strided_slice %get3A_1 {offsets = [0, 256], sizes = [8, 32], strides = [1, 1]} : vector<8x1024xf32> to vector<8x32xf32>
    %get3A_130 = arith.constant 0 : index
    %get3A_131 = arith.constant 0 : index
    %get3A_132 = vector.load %arg2[%get3A_130, %get3A_131] : memref<32x2048xf32, #tpu.memory_space<vmem>>, vector<32x2048xf32>
    %dot_general3A_133 = arith.constant dense<0.000000e+00> : vector<8x2048xf32>
    %dot_general3A_134 = tpu.matmul %slice3A_129, %get3A_132, %dot_general3A_133 {dimension_numbers = #tpu.dot_dimension_numbers<[1], [0], [0], [1], [0, 0, 1, 1], [], []>, transpose_lhs_hint = false} : vector<8x32xf32>, vector<32x2048xf32>, vector<8x2048xf32> -> vector<8x2048xf32>
    %get3A_135 = arith.constant 0 : index
    %get3A_136 = arith.constant 16384 : index
    %get3A_137 = vector.load %arg4[%get3A_135, %get3A_136] : memref<1x65536xf32, #tpu.memory_space<vmem>>, vector<1x2048xf32>
    %add3A_138 = vector.broadcast %get3A_137 : vector<1x2048xf32> to vector<8x2048xf32>
    %add3A_139 = arith.addf %dot_general3A_134, %add3A_138 : vector<8x2048xf32>
    %add3A_140 = vector.broadcast %get3A_4 : vector<1x2048xf32> to vector<8x2048xf32>
    %add3A_141 = arith.addf %add3A_139, %add3A_140 : vector<8x2048xf32>
    %swap3A_142 = arith.constant 0 : index
    %swap3A_143 = arith.constant 16384 : index
    %swap3A_144 = vector.load %arg5[%swap3A_142, %swap3A_143] : memref<8x65536xf32, #tpu.memory_space<vmem>>, vector<8x2048xf32>
    tpu.vector_store %arg5[%swap3A_142, %swap3A_143], %add3A_141 {strides = array<i32>} : memref<8x65536xf32, #tpu.memory_space<vmem>>, vector<8x2048xf32>,
    %slice3A_145 = vector.extract_strided_slice %get3A_1 {offsets = [0, 288], sizes = [8, 32], strides = [1, 1]} : vector<8x1024xf32> to vector<8x32xf32>
    %get3A_146 = arith.constant 0 : index
    %get3A_147 = arith.constant 0 : index
    %get3A_148 = vector.load %arg2[%get3A_146, %get3A_147] : memref<32x2048xf32, #tpu.memory_space<vmem>>, vector<32x2048xf32>
    %dot_general3A_149 = arith.constant dense<0.000000e+00> : vector<8x2048xf32>
    %dot_general3A_150 = tpu.matmul %slice3A_145, %get3A_148, %dot_general3A_149 {dimension_numbers = #tpu.dot_dimension_numbers<[1], [0], [0], [1], [0, 0, 1, 1], [], []>, transpose_lhs_hint = false} : vector<8x32xf32>, vector<32x2048xf32>, vector<8x2048xf32> -> vector<8x2048xf32>
    %get3A_151 = arith.constant 0 : index
    %get3A_152 = arith.constant 18432 : index
    %get3A_153 = vector.load %arg4[%get3A_151, %get3A_152] : memref<1x65536xf32, #tpu.memory_space<vmem>>, vector<1x2048xf32>
    %add3A_154 = vector.broadcast %get3A_153 : vector<1x2048xf32> to vector<8x2048xf32>
    %add3A_155 = arith.addf %dot_general3A_150, %add3A_154 : vector<8x2048xf32>
    %add3A_156 = vector.broadcast %get3A_4 : vector<1x2048xf32> to vector<8x2048xf32>
    %add3A_157 = arith.addf %add3A_155, %add3A_156 : vector<8x2048xf32>
    %swap3A_158 = arith.constant 0 : index
    %swap3A_159 = arith.constant 18432 : index
    %swap3A_160 = vector.load %arg5[%swap3A_158, %swap3A_159] : memref<8x65536xf32, #tpu.memory_space<vmem>>, vector<8x2048xf32>
    tpu.vector_store %arg5[%swap3A_158, %swap3A_159], %add3A_157 {strides = array<i32>} : memref<8x65536xf32, #tpu.memory_space<vmem>>, vector<8x2048xf32>,
    %slice3A_161 = vector.extract_strided_slice %get3A_1 {offsets = [0, 320], sizes = [8, 32], strides = [1, 1]} : vector<8x1024xf32> to vector<8x32xf32>
    %get3A_162 = arith.constant 0 : index
    %get3A_163 = arith.constant 0 : index
    %get3A_164 = vector.load %arg2[%get3A_162, %get3A_163] : memref<32x2048xf32, #tpu.memory_space<vmem>>, vector<32x2048xf32>
    %dot_general3A_165 = arith.constant dense<0.000000e+00> : vector<8x2048xf32>
    %dot_general3A_166 = tpu.matmul %slice3A_161, %get3A_164, %dot_general3A_165 {dimension_numbers = #tpu.dot_dimension_numbers<[1], [0], [0], [1], [0, 0, 1, 1], [], []>, transpose_lhs_hint = false} : vector<8x32xf32>, vector<32x2048xf32>, vector<8x2048xf32> -> vector<8x2048xf32>
    %get3A_167 = arith.constant 0 : index
    %get3A_168 = arith.constant 20480 : index
    %get3A_169 = vector.load %arg4[%get3A_167, %get3A_168] : memref<1x65536xf32, #tpu.memory_space<vmem>>, vector<1x2048xf32>
    %add3A_170 = vector.broadcast %get3A_169 : vector<1x2048xf32> to vector<8x2048xf32>
    %add3A_171 = arith.addf %dot_general3A_166, %add3A_170 : vector<8x2048xf32>
    %add3A_172 = vector.broadcast %get3A_4 : vector<1x2048xf32> to vector<8x2048xf32>
    %add3A_173 = arith.addf %add3A_171, %add3A_172 : vector<8x2048xf32>
    %swap3A_174 = arith.constant 0 : index
    %swap3A_175 = arith.constant 20480 : index
    %swap3A_176 = vector.load %arg5[%swap3A_174, %swap3A_175] : memref<8x65536xf32, #tpu.memory_space<vmem>>, vector<8x2048xf32>
    tpu.vector_store %arg5[%swap3A_174, %swap3A_175], %add3A_173 {strides = array<i32>} : memref<8x65536xf32, #tpu.memory_space<vmem>>, vector<8x2048xf32>,
    %slice3A_177 = vector.extract_strided_slice %get3A_1 {offsets = [0, 352], sizes = [8, 32], strides = [1, 1]} : vector<8x1024xf32> to vector<8x32xf32>
    %get3A_178 = arith.constant 0 : index
    %get3A_179 = arith.constant 0 : index
    %get3A_180 = vector.load %arg2[%get3A_178, %get3A_179] : memref<32x2048xf32, #tpu.memory_space<vmem>>, vector<32x2048xf32>
    %dot_general3A_181 = arith.constant dense<0.000000e+00> : vector<8x2048xf32>
    %dot_general3A_182 = tpu.matmul %slice3A_177, %get3A_180, %dot_general3A_181 {dimension_numbers = #tpu.dot_dimension_numbers<[1], [0], [0], [1], [0, 0, 1, 1], [], []>, transpose_lhs_hint = false} : vector<8x32xf32>, vector<32x2048xf32>, vector<8x2048xf32> -> vector<8x2048xf32>
    %get3A_183 = arith.constant 0 : index
    %get3A_184 = arith.constant 22528 : index
    %get3A_185 = vector.load %arg4[%get3A_183, %get3A_184] : memref<1x65536xf32, #tpu.memory_space<vmem>>, vector<1x2048xf32>
    %add3A_186 = vector.broadcast %get3A_185 : vector<1x2048xf32> to vector<8x2048xf32>
    %add3A_187 = arith.addf %dot_general3A_182, %add3A_186 : vector<8x2048xf32>
    %add3A_188 = vector.broadcast %get3A_4 : vector<1x2048xf32> to vector<8x2048xf32>
    %add3A_189 = arith.addf %add3A_187, %add3A_188 : vector<8x2048xf32>
    %swap3A_190 = arith.constant 0 : index
    %swap3A_191 = arith.constant 22528 : index
    %swap3A_192 = vector.load %arg5[%swap3A_190, %swap3A_191] : memref<8x65536xf32, #tpu.memory_space<vmem>>, vector<8x2048xf32>
    tpu.vector_store %arg5[%swap3A_190, %swap3A_191], %add3A_189 {strides = array<i32>} : memref<8x65536xf32, #tpu.memory_space<vmem>>, vector<8x2048xf32>,
    %slice3A_193 = vector.extract_strided_slice %get3A_1 {offsets = [0, 384], sizes = [8, 32], strides = [1, 1]} : vector<8x1024xf32> to vector<8x32xf32>
    %get3A_194 = arith.constant 0 : index
    %get3A_195 = arith.constant 0 : index
    %get3A_196 = vector.load %arg2[%get3A_194, %get3A_195] : memref<32x2048xf32, #tpu.memory_space<vmem>>, vector<32x2048xf32>
    %dot_general3A_197 = arith.constant dense<0.000000e+00> : vector<8x2048xf32>
    %dot_general3A_198 = tpu.matmul %slice3A_193, %get3A_196, %dot_general3A_197 {dimension_numbers = #tpu.dot_dimension_numbers<[1], [0], [0], [1], [0, 0, 1, 1], [], []>, transpose_lhs_hint = false} : vector<8x32xf32>, vector<32x2048xf32>, vector<8x2048xf32> -> vector<8x2048xf32>
    %get3A_199 = arith.constant 0 : index
    %get3A_200 = arith.constant 24576 : index
    %get3A_201 = vector.load %arg4[%get3A_199, %get3A_200] : memref<1x65536xf32, #tpu.memory_space<vmem>>, vector<1x2048xf32>
    %add3A_202 = vector.broadcast %get3A_201 : vector<1x2048xf32> to vector<8x2048xf32>
    %add3A_203 = arith.addf %dot_general3A_198, %add3A_202 : vector<8x2048xf32>
    %add3A_204 = vector.broadcast %get3A_4 : vector<1x2048xf32> to vector<8x2048xf32>
    %add3A_205 = arith.addf %add3A_203, %add3A_204 : vector<8x2048xf32>
    %swap3A_206 = arith.constant 0 : index
    %swap3A_207 = arith.constant 24576 : index
    %swap3A_208 = vector.load %arg5[%swap3A_206, %swap3A_207] : memref<8x65536xf32, #tpu.memory_space<vmem>>, vector<8x2048xf32>
    tpu.vector_store %arg5[%swap3A_206, %swap3A_207], %add3A_205 {strides = array<i32>} : memref<8x65536xf32, #tpu.memory_space<vmem>>, vector<8x2048xf32>,
    %slice3A_209 = vector.extract_strided_slice %get3A_1 {offsets = [0, 416], sizes = [8, 32], strides = [1, 1]} : vector<8x1024xf32> to vector<8x32xf32>
    %get3A_210 = arith.constant 0 : index
    %get3A_211 = arith.constant 0 : index
    %get3A_212 = vector.load %arg2[%get3A_210, %get3A_211] : memref<32x2048xf32, #tpu.memory_space<vmem>>, vector<32x2048xf32>
    %dot_general3A_213 = arith.constant dense<0.000000e+00> : vector<8x2048xf32>
    %dot_general3A_214 = tpu.matmul %slice3A_209, %get3A_212, %dot_general3A_213 {dimension_numbers = #tpu.dot_dimension_numbers<[1], [0], [0], [1], [0, 0, 1, 1], [], []>, transpose_lhs_hint = false} : vector<8x32xf32>, vector<32x2048xf32>, vector<8x2048xf32> -> vector<8x2048xf32>
    %get3A_215 = arith.constant 0 : index
    %get3A_216 = arith.constant 26624 : index
    %get3A_217 = vector.load %arg4[%get3A_215, %get3A_216] : memref<1x65536xf32, #tpu.memory_space<vmem>>, vector<1x2048xf32>
    %add3A_218 = vector.broadcast %get3A_217 : vector<1x2048xf32> to vector<8x2048xf32>
    %add3A_219 = arith.addf %dot_general3A_214, %add3A_218 : vector<8x2048xf32>
    %add3A_220 = vector.broadcast %get3A_4 : vector<1x2048xf32> to vector<8x2048xf32>
    %add3A_221 = arith.addf %add3A_219, %add3A_220 : vector<8x2048xf32>
    %swap3A_222 = arith.constant 0 : index
    %swap3A_223 = arith.constant 26624 : index
    %swap3A_224 = vector.load %arg5[%swap3A_222, %swap3A_223] : memref<8x65536xf32, #tpu.memory_space<vmem>>, vector<8x2048xf32>
    tpu.vector_store %arg5[%swap3A_222, %swap3A_223], %add3A_221 {strides = array<i32>} : memref<8x65536xf32, #tpu.memory_space<vmem>>, vector<8x2048xf32>,
    %slice3A_225 = vector.extract_strided_slice %get3A_1 {offsets = [0, 448], sizes = [8, 32], strides = [1, 1]} : vector<8x1024xf32> to vector<8x32xf32>
    %get3A_226 = arith.constant 0 : index
    %get3A_227 = arith.constant 0 : index
    %get3A_228 = vector.load %arg2[%get3A_226, %get3A_227] : memref<32x2048xf32, #tpu.memory_space<vmem>>, vector<32x2048xf32>
    %dot_general3A_229 = arith.constant dense<0.000000e+00> : vector<8x2048xf32>
    %dot_general3A_230 = tpu.matmul %slice3A_225, %get3A_228, %dot_general3A_229 {dimension_numbers = #tpu.dot_dimension_numbers<[1], [0], [0], [1], [0, 0, 1, 1], [], []>, transpose_lhs_hint = false} : vector<8x32xf32>, vector<32x2048xf32>, vector<8x2048xf32> -> vector<8x2048xf32>
    %get3A_231 = arith.constant 0 : index
    %get3A_232 = arith.constant 28672 : index
    %get3A_233 = vector.load %arg4[%get3A_231, %get3A_232] : memref<1x65536xf32, #tpu.memory_space<vmem>>, vector<1x2048xf32>
    %add3A_234 = vector.broadcast %get3A_233 : vector<1x2048xf32> to vector<8x2048xf32>
    %add3A_235 = arith.addf %dot_general3A_230, %add3A_234 : vector<8x2048xf32>
    %add3A_236 = vector.broadcast %get3A_4 : vector<1x2048xf32> to vector<8x2048xf32>
    %add3A_237 = arith.addf %add3A_235, %add3A_236 : vector<8x2048xf32>
    %swap3A_238 = arith.constant 0 : index
    %swap3A_239 = arith.constant 28672 : index
    %swap3A_240 = vector.load %arg5[%swap3A_238, %swap3A_239] : memref<8x65536xf32, #tpu.memory_space<vmem>>, vector<8x2048xf32>
    tpu.vector_store %arg5[%swap3A_238, %swap3A_239], %add3A_237 {strides = array<i32>} : memref<8x65536xf32, #tpu.memory_space<vmem>>, vector<8x2048xf32>,
    %slice3A_241 = vector.extract_strided_slice %get3A_1 {offsets = [0, 480], sizes = [8, 32], strides = [1, 1]} : vector<8x1024xf32> to vector<8x32xf32>
    %get3A_242 = arith.constant 0 : index
    %get3A_243 = arith.constant 0 : index
    %get3A_244 = vector.load %arg2[%get3A_242, %get3A_243] : memref<32x2048xf32, #tpu.memory_space<vmem>>, vector<32x2048xf32>
    %dot_general3A_245 = arith.constant dense<0.000000e+00> : vector<8x2048xf32>
    %dot_general3A_246 = tpu.matmul %slice3A_241, %get3A_244, %dot_general3A_245 {dimension_numbers = #tpu.dot_dimension_numbers<[1], [0], [0], [1], [0, 0, 1, 1], [], []>, transpose_lhs_hint = false} : vector<8x32xf32>, vector<32x2048xf32>, vector<8x2048xf32> -> vector<8x2048xf32>
    %get3A_247 = arith.constant 0 : index
    %get3A_248 = arith.constant 30720 : index
    %get3A_249 = vector.load %arg4[%get3A_247, %get3A_248] : memref<1x65536xf32, #tpu.memory_space<vmem>>, vector<1x2048xf32>
    %add3A_250 = vector.broadcast %get3A_249 : vector<1x2048xf32> to vector<8x2048xf32>
    %add3A_251 = arith.addf %dot_general3A_246, %add3A_250 : vector<8x2048xf32>
    %add3A_252 = vector.broadcast %get3A_4 : vector<1x2048xf32> to vector<8x2048xf32>
    %add3A_253 = arith.addf %add3A_251, %add3A_252 : vector<8x2048xf32>
    %swap3A_254 = arith.constant 0 : index
    %swap3A_255 = arith.constant 30720 : index
    %swap3A_256 = vector.load %arg5[%swap3A_254, %swap3A_255] : memref<8x65536xf32, #tpu.memory_space<vmem>>, vector<8x2048xf32>
    tpu.vector_store %arg5[%swap3A_254, %swap3A_255], %add3A_253 {strides = array<i32>} : memref<8x65536xf32, #tpu.memory_space<vmem>>, vector<8x2048xf32>,
    %slice3A_257 = vector.extract_strided_slice %get3A_1 {offsets = [0, 512], sizes = [8, 32], strides = [1, 1]} : vector<8x1024xf32> to vector<8x32xf32>
    %get3A_258 = arith.constant 0 : index
    %get3A_259 = arith.constant 0 : index
    %get3A_260 = vector.load %arg2[%get3A_258, %get3A_259] : memref<32x2048xf32, #tpu.memory_space<vmem>>, vector<32x2048xf32>
    %dot_general3A_261 = arith.constant dense<0.000000e+00> : vector<8x2048xf32>
    %dot_general3A_262 = tpu.matmul %slice3A_257, %get3A_260, %dot_general3A_261 {dimension_numbers = #tpu.dot_dimension_numbers<[1], [0], [0], [1], [0, 0, 1, 1], [], []>, transpose_lhs_hint = false} : vector<8x32xf32>, vector<32x2048xf32>, vector<8x2048xf32> -> vector<8x2048xf32>
    %get3A_263 = arith.constant 0 : index
    %get3A_264 = arith.constant 32768 : index
    %get3A_265 = vector.load %arg4[%get3A_263, %get3A_264] : memref<1x65536xf32, #tpu.memory_space<vmem>>, vector<1x2048xf32>
    %add3A_266 = vector.broadcast %get3A_265 : vector<1x2048xf32> to vector<8x2048xf32>
    %add3A_267 = arith.addf %dot_general3A_262, %add3A_266 : vector<8x2048xf32>
    %add3A_268 = vector.broadcast %get3A_4 : vector<1x2048xf32> to vector<8x2048xf32>
    %add3A_269 = arith.addf %add3A_267, %add3A_268 : vector<8x2048xf32>
    %swap3A_270 = arith.constant 0 : index
    %swap3A_271 = arith.constant 32768 : index
    %swap3A_272 = vector.load %arg5[%swap3A_270, %swap3A_271] : memref<8x65536xf32, #tpu.memory_space<vmem>>, vector<8x2048xf32>
    tpu.vector_store %arg5[%swap3A_270, %swap3A_271], %add3A_269 {strides = array<i32>} : memref<8x65536xf32, #tpu.memory_space<vmem>>, vector<8x2048xf32>,
    %slice3A_273 = vector.extract_strided_slice %get3A_1 {offsets = [0, 544], sizes = [8, 32], strides = [1, 1]} : vector<8x1024xf32> to vector<8x32xf32>
    %get3A_274 = arith.constant 0 : index
    %get3A_275 = arith.constant 0 : index
    %get3A_276 = vector.load %arg2[%get3A_274, %get3A_275] : memref<32x2048xf32, #tpu.memory_space<vmem>>, vector<32x2048xf32>
    %dot_general3A_277 = arith.constant dense<0.000000e+00> : vector<8x2048xf32>
    %dot_general3A_278 = tpu.matmul %slice3A_273, %get3A_276, %dot_general3A_277 {dimension_numbers = #tpu.dot_dimension_numbers<[1], [0], [0], [1], [0, 0, 1, 1], [], []>, transpose_lhs_hint = false} : vector<8x32xf32>, vector<32x2048xf32>, vector<8x2048xf32> -> vector<8x2048xf32>
    %get3A_279 = arith.constant 0 : index
    %get3A_280 = arith.constant 34816 : index
    %get3A_281 = vector.load %arg4[%get3A_279, %get3A_280] : memref<1x65536xf32, #tpu.memory_space<vmem>>, vector<1x2048xf32>
    %add3A_282 = vector.broadcast %get3A_281 : vector<1x2048xf32> to vector<8x2048xf32>
    %add3A_283 = arith.addf %dot_general3A_278, %add3A_282 : vector<8x2048xf32>
    %add3A_284 = vector.broadcast %get3A_4 : vector<1x2048xf32> to vector<8x2048xf32>
    %add3A_285 = arith.addf %add3A_283, %add3A_284 : vector<8x2048xf32>
    %swap3A_286 = arith.constant 0 : index
    %swap3A_287 = arith.constant 34816 : index
    %swap3A_288 = vector.load %arg5[%swap3A_286, %swap3A_287] : memref<8x65536xf32, #tpu.memory_space<vmem>>, vector<8x2048xf32>
    tpu.vector_store %arg5[%swap3A_286, %swap3A_287], %add3A_285 {strides = array<i32>} : memref<8x65536xf32, #tpu.memory_space<vmem>>, vector<8x2048xf32>,
    %slice3A_289 = vector.extract_strided_slice %get3A_1 {offsets = [0, 576], sizes = [8, 32], strides = [1, 1]} : vector<8x1024xf32> to vector<8x32xf32>
    %get3A_290 = arith.constant 0 : index
    %get3A_291 = arith.constant 0 : index
    %get3A_292 = vector.load %arg2[%get3A_290, %get3A_291] : memref<32x2048xf32, #tpu.memory_space<vmem>>, vector<32x2048xf32>
    %dot_general3A_293 = arith.constant dense<0.000000e+00> : vector<8x2048xf32>
    %dot_general3A_294 = tpu.matmul %slice3A_289, %get3A_292, %dot_general3A_293 {dimension_numbers = #tpu.dot_dimension_numbers<[1], [0], [0], [1], [0, 0, 1, 1], [], []>, transpose_lhs_hint = false} : vector<8x32xf32>, vector<32x2048xf32>, vector<8x2048xf32> -> vector<8x2048xf32>
    %get3A_295 = arith.constant 0 : index
    %get3A_296 = arith.constant 36864 : index
    %get3A_297 = vector.load %arg4[%get3A_295, %get3A_296] : memref<1x65536xf32, #tpu.memory_space<vmem>>, vector<1x2048xf32>
    %add3A_298 = vector.broadcast %get3A_297 : vector<1x2048xf32> to vector<8x2048xf32>
    %add3A_299 = arith.addf %dot_general3A_294, %add3A_298 : vector<8x2048xf32>
    %add3A_300 = vector.broadcast %get3A_4 : vector<1x2048xf32> to vector<8x2048xf32>
    %add3A_301 = arith.addf %add3A_299, %add3A_300 : vector<8x2048xf32>
    %swap3A_302 = arith.constant 0 : index
    %swap3A_303 = arith.constant 36864 : index
    %swap3A_304 = vector.load %arg5[%swap3A_302, %swap3A_303] : memref<8x65536xf32, #tpu.memory_space<vmem>>, vector<8x2048xf32>
    tpu.vector_store %arg5[%swap3A_302, %swap3A_303], %add3A_301 {strides = array<i32>} : memref<8x65536xf32, #tpu.memory_space<vmem>>, vector<8x2048xf32>,
    %slice3A_305 = vector.extract_strided_slice %get3A_1 {offsets = [0, 608], sizes = [8, 32], strides = [1, 1]} : vector<8x1024xf32> to vector<8x32xf32>
    %get3A_306 = arith.constant 0 : index
    %get3A_307 = arith.constant 0 : index
    %get3A_308 = vector.load %arg2[%get3A_306, %get3A_307] : memref<32x2048xf32, #tpu.memory_space<vmem>>, vector<32x2048xf32>
    %dot_general3A_309 = arith.constant dense<0.000000e+00> : vector<8x2048xf32>
    %dot_general3A_310 = tpu.matmul %slice3A_305, %get3A_308, %dot_general3A_309 {dimension_numbers = #tpu.dot_dimension_numbers<[1], [0], [0], [1], [0, 0, 1, 1], [], []>, transpose_lhs_hint = false} : vector<8x32xf32>, vector<32x2048xf32>, vector<8x2048xf32> -> vector<8x2048xf32>
    %get3A_311 = arith.constant 0 : index
    %get3A_312 = arith.constant 38912 : index
    %get3A_313 = vector.load %arg4[%get3A_311, %get3A_312] : memref<1x65536xf32, #tpu.memory_space<vmem>>, vector<1x2048xf32>
    %add3A_314 = vector.broadcast %get3A_313 : vector<1x2048xf32> to vector<8x2048xf32>
    %add3A_315 = arith.addf %dot_general3A_310, %add3A_314 : vector<8x2048xf32>
    %add3A_316 = vector.broadcast %get3A_4 : vector<1x2048xf32> to vector<8x2048xf32>
    %add3A_317 = arith.addf %add3A_315, %add3A_316 : vector<8x2048xf32>
    %swap3A_318 = arith.constant 0 : index
    %swap3A_319 = arith.constant 38912 : index
    %swap3A_320 = vector.load %arg5[%swap3A_318, %swap3A_319] : memref<8x65536xf32, #tpu.memory_space<vmem>>, vector<8x2048xf32>
    tpu.vector_store %arg5[%swap3A_318, %swap3A_319], %add3A_317 {strides = array<i32>} : memref<8x65536xf32, #tpu.memory_space<vmem>>, vector<8x2048xf32>,
    %slice3A_321 = vector.extract_strided_slice %get3A_1 {offsets = [0, 640], sizes = [8, 32], strides = [1, 1]} : vector<8x1024xf32> to vector<8x32xf32>
    %get3A_322 = arith.constant 0 : index
    %get3A_323 = arith.constant 0 : index
    %get3A_324 = vector.load %arg2[%get3A_322, %get3A_323] : memref<32x2048xf32, #tpu.memory_space<vmem>>, vector<32x2048xf32>
    %dot_general3A_325 = arith.constant dense<0.000000e+00> : vector<8x2048xf32>
    %dot_general3A_326 = tpu.matmul %slice3A_321, %get3A_324, %dot_general3A_325 {dimension_numbers = #tpu.dot_dimension_numbers<[1], [0], [0], [1], [0, 0, 1, 1], [], []>, transpose_lhs_hint = false} : vector<8x32xf32>, vector<32x2048xf32>, vector<8x2048xf32> -> vector<8x2048xf32>
    %get3A_327 = arith.constant 0 : index
    %get3A_328 = arith.constant 40960 : index
    %get3A_329 = vector.load %arg4[%get3A_327, %get3A_328] : memref<1x65536xf32, #tpu.memory_space<vmem>>, vector<1x2048xf32>
    %add3A_330 = vector.broadcast %get3A_329 : vector<1x2048xf32> to vector<8x2048xf32>
    %add3A_331 = arith.addf %dot_general3A_326, %add3A_330 : vector<8x2048xf32>
    %add3A_332 = vector.broadcast %get3A_4 : vector<1x2048xf32> to vector<8x2048xf32>
    %add3A_333 = arith.addf %add3A_331, %add3A_332 : vector<8x2048xf32>
    %swap3A_334 = arith.constant 0 : index
    %swap3A_335 = arith.constant 40960 : index
    %swap3A_336 = vector.load %arg5[%swap3A_334, %swap3A_335] : memref<8x65536xf32, #tpu.memory_space<vmem>>, vector<8x2048xf32>
    tpu.vector_store %arg5[%swap3A_334, %swap3A_335], %add3A_333 {strides = array<i32>} : memref<8x65536xf32, #tpu.memory_space<vmem>>, vector<8x2048xf32>,
    %slice3A_337 = vector.extract_strided_slice %get3A_1 {offsets = [0, 672], sizes = [8, 32], strides = [1, 1]} : vector<8x1024xf32> to vector<8x32xf32>
    %get3A_338 = arith.constant 0 : index
    %get3A_339 = arith.constant 0 : index
    %get3A_340 = vector.load %arg2[%get3A_338, %get3A_339] : memref<32x2048xf32, #tpu.memory_space<vmem>>, vector<32x2048xf32>
    %dot_general3A_341 = arith.constant dense<0.000000e+00> : vector<8x2048xf32>
    %dot_general3A_342 = tpu.matmul %slice3A_337, %get3A_340, %dot_general3A_341 {dimension_numbers = #tpu.dot_dimension_numbers<[1], [0], [0], [1], [0, 0, 1, 1], [], []>, transpose_lhs_hint = false} : vector<8x32xf32>, vector<32x2048xf32>, vector<8x2048xf32> -> vector<8x2048xf32>
    %get3A_343 = arith.constant 0 : index
    %get3A_344 = arith.constant 43008 : index
    %get3A_345 = vector.load %arg4[%get3A_343, %get3A_344] : memref<1x65536xf32, #tpu.memory_space<vmem>>, vector<1x2048xf32>
    %add3A_346 = vector.broadcast %get3A_345 : vector<1x2048xf32> to vector<8x2048xf32>
    %add3A_347 = arith.addf %dot_general3A_342, %add3A_346 : vector<8x2048xf32>
    %add3A_348 = vector.broadcast %get3A_4 : vector<1x2048xf32> to vector<8x2048xf32>
    %add3A_349 = arith.addf %add3A_347, %add3A_348 : vector<8x2048xf32>
    %swap3A_350 = arith.constant 0 : index
    %swap3A_351 = arith.constant 43008 : index
    %swap3A_352 = vector.load %arg5[%swap3A_350, %swap3A_351] : memref<8x65536xf32, #tpu.memory_space<vmem>>, vector<8x2048xf32>
    tpu.vector_store %arg5[%swap3A_350, %swap3A_351], %add3A_349 {strides = array<i32>} : memref<8x65536xf32, #tpu.memory_space<vmem>>, vector<8x2048xf32>,
    %slice3A_353 = vector.extract_strided_slice %get3A_1 {offsets = [0, 704], sizes = [8, 32], strides = [1, 1]} : vector<8x1024xf32> to vector<8x32xf32>
    %get3A_354 = arith.constant 0 : index
    %get3A_355 = arith.constant 0 : index
    %get3A_356 = vector.load %arg2[%get3A_354, %get3A_355] : memref<32x2048xf32, #tpu.memory_space<vmem>>, vector<32x2048xf32>
    %dot_general3A_357 = arith.constant dense<0.000000e+00> : vector<8x2048xf32>
    %dot_general3A_358 = tpu.matmul %slice3A_353, %get3A_356, %dot_general3A_357 {dimension_numbers = #tpu.dot_dimension_numbers<[1], [0], [0], [1], [0, 0, 1, 1], [], []>, transpose_lhs_hint = false} : vector<8x32xf32>, vector<32x2048xf32>, vector<8x2048xf32> -> vector<8x2048xf32>
    %get3A_359 = arith.constant 0 : index
    %get3A_360 = arith.constant 45056 : index
    %get3A_361 = vector.load %arg4[%get3A_359, %get3A_360] : memref<1x65536xf32, #tpu.memory_space<vmem>>, vector<1x2048xf32>
    %add3A_362 = vector.broadcast %get3A_361 : vector<1x2048xf32> to vector<8x2048xf32>
    %add3A_363 = arith.addf %dot_general3A_358, %add3A_362 : vector<8x2048xf32>
    %add3A_364 = vector.broadcast %get3A_4 : vector<1x2048xf32> to vector<8x2048xf32>
    %add3A_365 = arith.addf %add3A_363, %add3A_364 : vector<8x2048xf32>
    %swap3A_366 = arith.constant 0 : index
    %swap3A_367 = arith.constant 45056 : index
    %swap3A_368 = vector.load %arg5[%swap3A_366, %swap3A_367] : memref<8x65536xf32, #tpu.memory_space<vmem>>, vector<8x2048xf32>
    tpu.vector_store %arg5[%swap3A_366, %swap3A_367], %add3A_365 {strides = array<i32>} : memref<8x65536xf32, #tpu.memory_space<vmem>>, vector<8x2048xf32>,
    %slice3A_369 = vector.extract_strided_slice %get3A_1 {offsets = [0, 736], sizes = [8, 32], strides = [1, 1]} : vector<8x1024xf32> to vector<8x32xf32>
    %get3A_370 = arith.constant 0 : index
    %get3A_371 = arith.constant 0 : index
    %get3A_372 = vector.load %arg2[%get3A_370, %get3A_371] : memref<32x2048xf32, #tpu.memory_space<vmem>>, vector<32x2048xf32>
    %dot_general3A_373 = arith.constant dense<0.000000e+00> : vector<8x2048xf32>
    %dot_general3A_374 = tpu.matmul %slice3A_369, %get3A_372, %dot_general3A_373 {dimension_numbers = #tpu.dot_dimension_numbers<[1], [0], [0], [1], [0, 0, 1, 1], [], []>, transpose_lhs_hint = false} : vector<8x32xf32>, vector<32x2048xf32>, vector<8x2048xf32> -> vector<8x2048xf32>
    %get3A_375 = arith.constant 0 : index
    %get3A_376 = arith.constant 47104 : index
    %get3A_377 = vector.load %arg4[%get3A_375, %get3A_376] : memref<1x65536xf32, #tpu.memory_space<vmem>>, vector<1x2048xf32>
    %add3A_378 = vector.broadcast %get3A_377 : vector<1x2048xf32> to vector<8x2048xf32>
    %add3A_379 = arith.addf %dot_general3A_374, %add3A_378 : vector<8x2048xf32>
    %add3A_380 = vector.broadcast %get3A_4 : vector<1x2048xf32> to vector<8x2048xf32>
    %add3A_381 = arith.addf %add3A_379, %add3A_380 : vector<8x2048xf32>
    %swap3A_382 = arith.constant 0 : index
    %swap3A_383 = arith.constant 47104 : index
    %swap3A_384 = vector.load %arg5[%swap3A_382, %swap3A_383] : memref<8x65536xf32, #tpu.memory_space<vmem>>, vector<8x2048xf32>
    tpu.vector_store %arg5[%swap3A_382, %swap3A_383], %add3A_381 {strides = array<i32>} : memref<8x65536xf32, #tpu.memory_space<vmem>>, vector<8x2048xf32>,
    %slice3A_385 = vector.extract_strided_slice %get3A_1 {offsets = [0, 768], sizes = [8, 32], strides = [1, 1]} : vector<8x1024xf32> to vector<8x32xf32>
    %get3A_386 = arith.constant 0 : index
    %get3A_387 = arith.constant 0 : index
    %get3A_388 = vector.load %arg2[%get3A_386, %get3A_387] : memref<32x2048xf32, #tpu.memory_space<vmem>>, vector<32x2048xf32>
    %dot_general3A_389 = arith.constant dense<0.000000e+00> : vector<8x2048xf32>
    %dot_general3A_390 = tpu.matmul %slice3A_385, %get3A_388, %dot_general3A_389 {dimension_numbers = #tpu.dot_dimension_numbers<[1], [0], [0], [1], [0, 0, 1, 1], [], []>, transpose_lhs_hint = false} : vector<8x32xf32>, vector<32x2048xf32>, vector<8x2048xf32> -> vector<8x2048xf32>
    %get3A_391 = arith.constant 0 : index
    %get3A_392 = arith.constant 49152 : index
    %get3A_393 = vector.load %arg4[%get3A_391, %get3A_392] : memref<1x65536xf32, #tpu.memory_space<vmem>>, vector<1x2048xf32>
    %add3A_394 = vector.broadcast %get3A_393 : vector<1x2048xf32> to vector<8x2048xf32>
    %add3A_395 = arith.addf %dot_general3A_390, %add3A_394 : vector<8x2048xf32>
    %add3A_396 = vector.broadcast %get3A_4 : vector<1x2048xf32> to vector<8x2048xf32>
    %add3A_397 = arith.addf %add3A_395, %add3A_396 : vector<8x2048xf32>
    %swap3A_398 = arith.constant 0 : index
    %swap3A_399 = arith.constant 49152 : index
    %swap3A_400 = vector.load %arg5[%swap3A_398, %swap3A_399] : memref<8x65536xf32, #tpu.memory_space<vmem>>, vector<8x2048xf32>
    tpu.vector_store %arg5[%swap3A_398, %swap3A_399], %add3A_397 {strides = array<i32>} : memref<8x65536xf32, #tpu.memory_space<vmem>>, vector<8x2048xf32>,
    %slice3A_401 = vector.extract_strided_slice %get3A_1 {offsets = [0, 800], sizes = [8, 32], strides = [1, 1]} : vector<8x1024xf32> to vector<8x32xf32>
    %get3A_402 = arith.constant 0 : index
    %get3A_403 = arith.constant 0 : index
    %get3A_404 = vector.load %arg2[%get3A_402, %get3A_403] : memref<32x2048xf32, #tpu.memory_space<vmem>>, vector<32x2048xf32>
    %dot_general3A_405 = arith.constant dense<0.000000e+00> : vector<8x2048xf32>
    %dot_general3A_406 = tpu.matmul %slice3A_401, %get3A_404, %dot_general3A_405 {dimension_numbers = #tpu.dot_dimension_numbers<[1], [0], [0], [1], [0, 0, 1, 1], [], []>, transpose_lhs_hint = false} : vector<8x32xf32>, vector<32x2048xf32>, vector<8x2048xf32> -> vector<8x2048xf32>
    %get3A_407 = arith.constant 0 : index
    %get3A_408 = arith.constant 51200 : index
    %get3A_409 = vector.load %arg4[%get3A_407, %get3A_408] : memref<1x65536xf32, #tpu.memory_space<vmem>>, vector<1x2048xf32>
    %add3A_410 = vector.broadcast %get3A_409 : vector<1x2048xf32> to vector<8x2048xf32>
    %add3A_411 = arith.addf %dot_general3A_406, %add3A_410 : vector<8x2048xf32>
    %add3A_412 = vector.broadcast %get3A_4 : vector<1x2048xf32> to vector<8x2048xf32>
    %add3A_413 = arith.addf %add3A_411, %add3A_412 : vector<8x2048xf32>
    %swap3A_414 = arith.constant 0 : index
    %swap3A_415 = arith.constant 51200 : index
    %swap3A_416 = vector.load %arg5[%swap3A_414, %swap3A_415] : memref<8x65536xf32, #tpu.memory_space<vmem>>, vector<8x2048xf32>
    tpu.vector_store %arg5[%swap3A_414, %swap3A_415], %add3A_413 {strides = array<i32>} : memref<8x65536xf32, #tpu.memory_space<vmem>>, vector<8x2048xf32>,
    %slice3A_417 = vector.extract_strided_slice %get3A_1 {offsets = [0, 832], sizes = [8, 32], strides = [1, 1]} : vector<8x1024xf32> to vector<8x32xf32>
    %get3A_418 = arith.constant 0 : index
    %get3A_419 = arith.constant 0 : index
    %get3A_420 = vector.load %arg2[%get3A_418, %get3A_419] : memref<32x2048xf32, #tpu.memory_space<vmem>>, vector<32x2048xf32>
    %dot_general3A_421 = arith.constant dense<0.000000e+00> : vector<8x2048xf32>
    %dot_general3A_422 = tpu.matmul %slice3A_417, %get3A_420, %dot_general3A_421 {dimension_numbers = #tpu.dot_dimension_numbers<[1], [0], [0], [1], [0, 0, 1, 1], [], []>, transpose_lhs_hint = false} : vector<8x32xf32>, vector<32x2048xf32>, vector<8x2048xf32> -> vector<8x2048xf32>
    %get3A_423 = arith.constant 0 : index
    %get3A_424 = arith.constant 53248 : index
    %get3A_425 = vector.load %arg4[%get3A_423, %get3A_424] : memref<1x65536xf32, #tpu.memory_space<vmem>>, vector<1x2048xf32>
    %add3A_426 = vector.broadcast %get3A_425 : vector<1x2048xf32> to vector<8x2048xf32>
    %add3A_427 = arith.addf %dot_general3A_422, %add3A_426 : vector<8x2048xf32>
    %add3A_428 = vector.broadcast %get3A_4 : vector<1x2048xf32> to vector<8x2048xf32>
    %add3A_429 = arith.addf %add3A_427, %add3A_428 : vector<8x2048xf32>
    %swap3A_430 = arith.constant 0 : index
    %swap3A_431 = arith.constant 53248 : index
    %swap3A_432 = vector.load %arg5[%swap3A_430, %swap3A_431] : memref<8x65536xf32, #tpu.memory_space<vmem>>, vector<8x2048xf32>
    tpu.vector_store %arg5[%swap3A_430, %swap3A_431], %add3A_429 {strides = array<i32>} : memref<8x65536xf32, #tpu.memory_space<vmem>>, vector<8x2048xf32>,
    %slice3A_433 = vector.extract_strided_slice %get3A_1 {offsets = [0, 864], sizes = [8, 32], strides = [1, 1]} : vector<8x1024xf32> to vector<8x32xf32>
    %get3A_434 = arith.constant 0 : index
    %get3A_435 = arith.constant 0 : index
    %get3A_436 = vector.load %arg2[%get3A_434, %get3A_435] : memref<32x2048xf32, #tpu.memory_space<vmem>>, vector<32x2048xf32>
    %dot_general3A_437 = arith.constant dense<0.000000e+00> : vector<8x2048xf32>
    %dot_general3A_438 = tpu.matmul %slice3A_433, %get3A_436, %dot_general3A_437 {dimension_numbers = #tpu.dot_dimension_numbers<[1], [0], [0], [1], [0, 0, 1, 1], [], []>, transpose_lhs_hint = false} : vector<8x32xf32>, vector<32x2048xf32>, vector<8x2048xf32> -> vector<8x2048xf32>
    %get3A_439 = arith.constant 0 : index
    %get3A_440 = arith.constant 55296 : index
    %get3A_441 = vector.load %arg4[%get3A_439, %get3A_440] : memref<1x65536xf32, #tpu.memory_space<vmem>>, vector<1x2048xf32>
    %add3A_442 = vector.broadcast %get3A_441 : vector<1x2048xf32> to vector<8x2048xf32>
    %add3A_443 = arith.addf %dot_general3A_438, %add3A_442 : vector<8x2048xf32>
    %add3A_444 = vector.broadcast %get3A_4 : vector<1x2048xf32> to vector<8x2048xf32>
    %add3A_445 = arith.addf %add3A_443, %add3A_444 : vector<8x2048xf32>
    %swap3A_446 = arith.constant 0 : index
    %swap3A_447 = arith.constant 55296 : index
    %swap3A_448 = vector.load %arg5[%swap3A_446, %swap3A_447] : memref<8x65536xf32, #tpu.memory_space<vmem>>, vector<8x2048xf32>
    tpu.vector_store %arg5[%swap3A_446, %swap3A_447], %add3A_445 {strides = array<i32>} : memref<8x65536xf32, #tpu.memory_space<vmem>>, vector<8x2048xf32>,
    %slice3A_449 = vector.extract_strided_slice %get3A_1 {offsets = [0, 896], sizes = [8, 32], strides = [1, 1]} : vector<8x1024xf32> to vector<8x32xf32>
    %get3A_450 = arith.constant 0 : index
    %get3A_451 = arith.constant 0 : index
    %get3A_452 = vector.load %arg2[%get3A_450, %get3A_451] : memref<32x2048xf32, #tpu.memory_space<vmem>>, vector<32x2048xf32>
    %dot_general3A_453 = arith.constant dense<0.000000e+00> : vector<8x2048xf32>
    %dot_general3A_454 = tpu.matmul %slice3A_449, %get3A_452, %dot_general3A_453 {dimension_numbers = #tpu.dot_dimension_numbers<[1], [0], [0], [1], [0, 0, 1, 1], [], []>, transpose_lhs_hint = false} : vector<8x32xf32>, vector<32x2048xf32>, vector<8x2048xf32> -> vector<8x2048xf32>
    %get3A_455 = arith.constant 0 : index
    %get3A_456 = arith.constant 57344 : index
    %get3A_457 = vector.load %arg4[%get3A_455, %get3A_456] : memref<1x65536xf32, #tpu.memory_space<vmem>>, vector<1x2048xf32>
    %add3A_458 = vector.broadcast %get3A_457 : vector<1x2048xf32> to vector<8x2048xf32>
    %add3A_459 = arith.addf %dot_general3A_454, %add3A_458 : vector<8x2048xf32>
    %add3A_460 = vector.broadcast %get3A_4 : vector<1x2048xf32> to vector<8x2048xf32>
    %add3A_461 = arith.addf %add3A_459, %add3A_460 : vector<8x2048xf32>
    %swap3A_462 = arith.constant 0 : index
    %swap3A_463 = arith.constant 57344 : index
    %swap3A_464 = vector.load %arg5[%swap3A_462, %swap3A_463] : memref<8x65536xf32, #tpu.memory_space<vmem>>, vector<8x2048xf32>
    tpu.vector_store %arg5[%swap3A_462, %swap3A_463], %add3A_461 {strides = array<i32>} : memref<8x65536xf32, #tpu.memory_space<vmem>>, vector<8x2048xf32>,
    %slice3A_465 = vector.extract_strided_slice %get3A_1 {offsets = [0, 928], sizes = [8, 32], strides = [1, 1]} : vector<8x1024xf32> to vector<8x32xf32>
    %get3A_466 = arith.constant 0 : index
    %get3A_467 = arith.constant 0 : index
    %get3A_468 = vector.load %arg2[%get3A_466, %get3A_467] : memref<32x2048xf32, #tpu.memory_space<vmem>>, vector<32x2048xf32>
    %dot_general3A_469 = arith.constant dense<0.000000e+00> : vector<8x2048xf32>
    %dot_general3A_470 = tpu.matmul %slice3A_465, %get3A_468, %dot_general3A_469 {dimension_numbers = #tpu.dot_dimension_numbers<[1], [0], [0], [1], [0, 0, 1, 1], [], []>, transpose_lhs_hint = false} : vector<8x32xf32>, vector<32x2048xf32>, vector<8x2048xf32> -> vector<8x2048xf32>
    %get3A_471 = arith.constant 0 : index
    %get3A_472 = arith.constant 59392 : index
    %get3A_473 = vector.load %arg4[%get3A_471, %get3A_472] : memref<1x65536xf32, #tpu.memory_space<vmem>>, vector<1x2048xf32>
    %add3A_474 = vector.broadcast %get3A_473 : vector<1x2048xf32> to vector<8x2048xf32>
    %add3A_475 = arith.addf %dot_general3A_470, %add3A_474 : vector<8x2048xf32>
    %add3A_476 = vector.broadcast %get3A_4 : vector<1x2048xf32> to vector<8x2048xf32>
    %add3A_477 = arith.addf %add3A_475, %add3A_476 : vector<8x2048xf32>
    %swap3A_478 = arith.constant 0 : index
    %swap3A_479 = arith.constant 59392 : index
    %swap3A_480 = vector.load %arg5[%swap3A_478, %swap3A_479] : memref<8x65536xf32, #tpu.memory_space<vmem>>, vector<8x2048xf32>
    tpu.vector_store %arg5[%swap3A_478, %swap3A_479], %add3A_477 {strides = array<i32>} : memref<8x65536xf32, #tpu.memory_space<vmem>>, vector<8x2048xf32>,
    %slice3A_481 = vector.extract_strided_slice %get3A_1 {offsets = [0, 960], sizes = [8, 32], strides = [1, 1]} : vector<8x1024xf32> to vector<8x32xf32>
    %get3A_482 = arith.constant 0 : index
    %get3A_483 = arith.constant 0 : index
    %get3A_484 = vector.load %arg2[%get3A_482, %get3A_483] : memref<32x2048xf32, #tpu.memory_space<vmem>>, vector<32x2048xf32>
    %dot_general3A_485 = arith.constant dense<0.000000e+00> : vector<8x2048xf32>
    %dot_general3A_486 = tpu.matmul %slice3A_481, %get3A_484, %dot_general3A_485 {dimension_numbers = #tpu.dot_dimension_numbers<[1], [0], [0], [1], [0, 0, 1, 1], [], []>, transpose_lhs_hint = false} : vector<8x32xf32>, vector<32x2048xf32>, vector<8x2048xf32> -> vector<8x2048xf32>
    %get3A_487 = arith.constant 0 : index
    %get3A_488 = arith.constant 61440 : index
    %get3A_489 = vector.load %arg4[%get3A_487, %get3A_488] : memref<1x65536xf32, #tpu.memory_space<vmem>>, vector<1x2048xf32>
    %add3A_490 = vector.broadcast %get3A_489 : vector<1x2048xf32> to vector<8x2048xf32>
    %add3A_491 = arith.addf %dot_general3A_486, %add3A_490 : vector<8x2048xf32>
    %add3A_492 = vector.broadcast %get3A_4 : vector<1x2048xf32> to vector<8x2048xf32>
    %add3A_493 = arith.addf %add3A_491, %add3A_492 : vector<8x2048xf32>
    %swap3A_494 = arith.constant 0 : index
    %swap3A_495 = arith.constant 61440 : index
    %swap3A_496 = vector.load %arg5[%swap3A_494, %swap3A_495] : memref<8x65536xf32, #tpu.memory_space<vmem>>, vector<8x2048xf32>
    tpu.vector_store %arg5[%swap3A_494, %swap3A_495], %add3A_493 {strides = array<i32>} : memref<8x65536xf32, #tpu.memory_space<vmem>>, vector<8x2048xf32>,
    %slice3A_497 = vector.extract_strided_slice %get3A_1 {offsets = [0, 992], sizes = [8, 32], strides = [1, 1]} : vector<8x1024xf32> to vector<8x32xf32>
    %get3A_498 = arith.constant 0 : index
    %get3A_499 = arith.constant 0 : index
    %get3A_500 = vector.load %arg2[%get3A_498, %get3A_499] : memref<32x2048xf32, #tpu.memory_space<vmem>>, vector<32x2048xf32>
    %dot_general3A_501 = arith.constant dense<0.000000e+00> : vector<8x2048xf32>
    %dot_general3A_502 = tpu.matmul %slice3A_497, %get3A_500, %dot_general3A_501 {dimension_numbers = #tpu.dot_dimension_numbers<[1], [0], [0], [1], [0, 0, 1, 1], [], []>, transpose_lhs_hint = false} : vector<8x32xf32>, vector<32x2048xf32>, vector<8x2048xf32> -> vector<8x2048xf32>
    %get3A_503 = arith.constant 0 : index
    %get3A_504 = arith.constant 63488 : index
    %get3A_505 = vector.load %arg4[%get3A_503, %get3A_504] : memref<1x65536xf32, #tpu.memory_space<vmem>>, vector<1x2048xf32>
    %add3A_506 = vector.broadcast %get3A_505 : vector<1x2048xf32> to vector<8x2048xf32>
    %add3A_507 = arith.addf %dot_general3A_502, %add3A_506 : vector<8x2048xf32>
    %add3A_508 = vector.broadcast %get3A_4 : vector<1x2048xf32> to vector<8x2048xf32>
    %add3A_509 = arith.addf %add3A_507, %add3A_508 : vector<8x2048xf32>
    %swap3A_510 = arith.constant 0 : index
    %swap3A_511 = arith.constant 63488 : index
    %swap3A_512 = vector.load %arg5[%swap3A_510, %swap3A_511] : memref<8x65536xf32, #tpu.memory_space<vmem>>, vector<8x2048xf32>
    tpu.vector_store %arg5[%swap3A_510, %swap3A_511], %add3A_509 {strides = array<i32>} : memref<8x65536xf32, #tpu.memory_space<vmem>>, vector<8x2048xf32>,
    return
  }
  func.func @transform_0(%arg0: i32) -> (i32, i32) {
    %c0_i32 = arith.constant 0 : i32
    %c0_i32_0 = arith.constant 0 : i32
    return %arg0, %c0_i32 : i32, i32
  }
  func.func @transform_1(%arg0: i32) -> (i32, i32) {
    %c0_i32 = arith.constant 0 : i32
    %c0_i32_0 = arith.constant 0 : i32
    %c0_i32_1 = arith.constant 0 : i32
    return %c0_i32, %c0_i32_0 : i32, i32
  }
  func.func @transform_2(%arg0: i32) -> (i32, i32) {
    %c0_i32 = arith.constant 0 : i32
    %c0_i32_0 = arith.constant 0 : i32
    %c0_i32_1 = arith.constant 0 : i32
    return %c0_i32, %c0_i32_0 : i32, i32
  }
  func.func @transform_3(%arg0: i32) -> (i32, i32) {
    %c0_i32 = arith.constant 0 : i32
    %c0_i32_0 = arith.constant 0 : i32
    %c0_i32_1 = arith.constant 0 : i32
    return %c0_i32, %c0_i32_0 : i32, i32
  }
  func.func @transform_4(%arg0: i32) -> (i32, i32) {
    %c0_i32 = arith.constant 0 : i32
    %c0_i32_0 = arith.constant 0 : i32
    return %arg0, %c0_i32 : i32, i32
  }
}

</mosaic_0001>

<sc_bundles>
// kernel: sparse-core-data-format-call.cloned.1.call-start
scs
called_computation_lowered:
.L_overlay_start_0:
0x0: {  	s2 =	sld [smem:$0x3FD9]  }
0x1: {  	s3 =	sld [smem:$0x3FFE];
	_ =	sdelay $0x1  }
0x2: {  	s1 =	srdreg.scid  }
0x3: {  	s0 =	sand.u32 $0x1, s1  }
0x4: {  	s18 =	sshll.u32 s0, $0xA;
	s2 =	sadd.s32 s3, s2  }
0x5: {  	s2 =	sadd.s32 s2, s18  }
0x6: {  	[smem:$0x3FC4] =	sst s2  }
0x7: {  	_ = 	snop  }
0x8: {  	s2 =	sld [smem:$0x3FD0];
	(tm) =	ssettm $0x1  }
0x9: {  	s19 =	sld [smem:$0x3FFB];
	_ =	sdelay $0x3  }
0xa: {  	_ =	strace s19  }
0xb: {  	s3 =	sld [smem:$0x3FFC];
	_ =	sdelay $0x3  }
0xc: {  	_ =	strace s3  }
0xd: {  	s3 =	sld [smem:$0x3FFD];
	_ =	sdelay $0x3  }
0xe: {  	_ =	strace s3  }
0xf: {  	_ =	strace $0x8FFFFFFF  }
0x10: {  	s20 =	sld [smem:$0x3FDB];
	_ =	sdelay $0x1  }
0x11: {  	s4 =	simm.s32 $_scs_section_size  }
0x12: {  	s5 =	simm.s32 $_size__tile_overlayer_lowered;
	s6 =	simm.s32 $_tile_overlayer_lowered  }
0x13: {  	s23 =	simm.s32 $0x1BFF;
	s22 =	sshll.u32 s6, $0x1;
	s3 =	sadd.s32 s4, s20  }
0x14: {  	s7 =	simm.s32 $0x0;
	s21 =	sshll.u32 s5, $0x1;
	s5 =	sadd.s32 s22, s3  }
0x15: {  	[timem:s7], [sflag:s23] =	dma.local [hbm:s5], s21  }
0x16: {  	_ =	swait.ge [sflag:s23], s21  }
0x17: {  	s4 =	ssub.s32 $0x0, s21;
	[sflag:s23] =	ssyncset.done $0x0  }
0x18: {  	[sflag:s23] =	ssyncadd.s32 s4;
	_ =	sdelay $0x1  }
0x19: {  	s24 =	simm.s32 $0x1B8B  }
0x1a: {  	_ =	swait.ge [sflag:s24], $0x1  }
0x1b: {  	[sflag:s24] =	ssyncset.done $0x0  }
0x1c: {  	s26 =	simm.s32 $0x1B8E;
	s25 =	sld [smem:$0x3FFE];
	[sflag:s24] =	ssyncadd.s32 $0xFFFFFFFF  }
0x1d: {  	s27 =	simm.s32 $execute0_lowered;
	[smem:$0x3FD2] =	sst s26  }
0x1e: {  	s5 =	sshll.u32 s27, $0x1;
	_ =	strace $0x80000046;
	[dreg:$0x1] =	wrdreg $0xFFFFFFFF  }
0x1f: {  	s28 =	simm.s32 $_size_execute0_lowered;
	s3 =	sadd.s32 s3, s5;
	[dreg:$0x0] =	wrdreg $0x0  }
0x20: {  	s5 =	sshll.u32 s28, $0x1;
	[dreg:$0x2] =	wrdreg s3  }
0x21: {  	[dreg:$0x3] =	wrdreg s5  }
0x22: {  	[dreg:$0x4] =	wrdreg $0xC0  }
0x23: {  	_ =	task [dreg:s7], $0x5FFFF  }
0x24: {  	[dreg:$0x1] =	wrdreg $0xFFFFFFFF  }
0x25: {  	[dreg:$0x0] =	wrdreg $0x60  }
0x26: {  	[dreg:$0x2] =	wrdreg s25  }
0x27: {  	[dreg:$0x3] =	wrdreg s2  }
0x28: {  	[dreg:$0x4] =	wrdreg $0x9  }
0x29: {  	_ =	task.clear_ibuf [dreg:s7], $0x5FFFF;
	_ =	strace $0x90000046  }
0x2a: {  	s29 =	simm.s32 $0x9;
	_ =	strace $0x80000048  }
0x2b: {  	_ =	swait.ge [sflag:s29], $0x1  }
0x2c: {  	[sflag:s29] =	ssyncadd.s32 $0xFFFFFFFF  }
0x2d: {  	_ =	strace $0x90000048  }
0x2e: {  	_ =	sfence  }
0x2f: {  	s30 =	sld [smem:$0x0];
	_ =	sdelay $0x2  }
0x30: {  	s31 =	sshll.u32 s1, $0xD;
	s1 =	sshrl.u32 s1, $0x2  }
0x31: {  	s3 =	sand.u32 $0x4000, s31;
	s1 =	sadd.s32 s1, s30  }
0x32: {  	s0 =	sor.u32 s3, s0;
	s1 =	sshll.u32 s1, $0x11  }
0x33: {  	s0 =	sor.u32 s1, s0  }
0x34: {  	s0 =	sadd.s32 $0x8F2B, s0  }
0x35: {  	[sflag:s0] =	ssyncadd.remote.s32 $0x1  }
0x36: {  	_ =	sfence.sel $0xFFFF  }
0x37: {  	[dreg:$0x0] =	wrdreg $0xFFFFFFFF;
	(pc) =	sbr.abs _section_cstart, $3  }
0x38: {  	[dreg:$0x1] =	wrdreg $0xFFFFFFFF  }
0x39: {  	_ =	task.clear_ibuf [dreg:s7], $0x2FFFF;
	_ =	strace $0x9FFFFFFF  }
0x3a: {  	(tm) =	ssettm $0x7FFFFFFF  }
0x3b: {  	_ =	shalt  }
tec
execute0_lowered:
.L_overlay_start_1:
0x0: {  	(tag) =	ssettag $0x1  }
0x1: {  	s1 =	rddreg [dreg:$0x0]  }
0x2: {  	s2 =	rddreg [dreg:$0x1]  }
0x3: {  	s0 =	rddreg [dreg:$0x2];
	_ =	strace $0x80000047;
	s4 =	srdreg.scid  }
0x4: {  	s6 =	simm.s32 $0x2;
	s12 =	simm.s32 $0x0;
	p0 =	por $0x0, $0x0  }
0x5: {  	s13 =	simm.s32 $0x0;
	s15 =	simm.s32 $0x0;
	s14 =	simm.s32 $0x0  }
.Ltmp0:
0x6: {  	s8 =	simm.s32 $0x0;
	s9 =	simm.s32 $0x0;
	(pc) =	sbr.rel .LBB1_1-.Ltmp0, $4  }
0x7: {  	s10 =	simm.s32 $0x0;
	s3 =	sadd.s32 $0x800, s1;
	s5 =	sshll.u32 s4, $0x4  }
0x8: {  	s1 =	stileid.u32;
	s4 =	simm.s32 $0x1;
	s5 =	sand.u32 $0x10, s5  }
0x9: {  	s7 =	simm.s32 $0x0;
	[sflag:s4] =	ssyncpa.u1 $0x0;
	s5 =	sor.u32 s1, s5  }
0xa: {  	[sflag:s6] =	ssyncpa.u1 $0x0;
	s6 =	simm.s32 $0x10000;
	s11 =	smov.u32 s5  }
.LBB1_7:
0xb: {  	s16 =	sadd.s32 $0x100, s8  }
0xc: {  	s12 =	sadd.s32 $0x8, s9;
	s17 =	smov.u32 s9;
	p2 =	sgt.s32 s16, $0x1FF  }
0xd: {  	s17 =	smov.u32 @p2 s12  }
0xe: {  	s18 =	smov.u32 s10;
	s12 =	sadd.s32 $0x8, s10;
	p3 =	sgt.s32 s17, $0x7  }
0xf: {  	s18 =	smov.u32 @p3 s12  }
0x10: {  	s19 =	smov.u32 s11;
	s12 =	sadd.s32 $0x20, s11;
	p4 =	sgt.s32 s18, $0x7F  }
0x11: {  	p1 =	slt.u32 s7, $0x2;
	s19 =	smov.u32 @p4 s12  }
0x12: {  	s7 =	sadd.s32 $0x1, s7;
	s16 =	simm.s32 @p2 $0x0;
	p2 =	sgt.s32 s19, $0x7F  }
0x13: {  	s20 =	simm.s32 @!p1 $0x2;
	s19 =	smov.u32 @p2 s5;
	p2 =	sne.s32 s7, $0x82  }
.Ltmp1:
0x14: {  	s13 =	smov.u32 s9;
	_ =	swait.ge @!p1 [sflag:s20], $0x4000;
	(pc) =	sbr.rel @!p2 .LBB1_8-.Ltmp1, $4  }
0x15: {  	s15 =	smov.u32 s10;
	s14 =	smov.u32 s11;
	[sflag:s20] =	ssyncset.done @!p1 $0x0  }
0x16: {  	p0 =	por !p0, !p0;
	s17 =	simm.s32 @p3 $0x0;
	[sflag:s20] =	ssyncadd.s32 @!p1 $0xFFFFC000  }
0x17: {  	s9 =	smov.u32 s17;
	s18 =	simm.s32 @p4 $0x0;
	s12 =	smov.u32 s8  }
0x18: {  	s8 =	smov.u32 s16;
	s10 =	smov.u32 s18;
	s11 =	smov.u32 s19  }
.LBB1_1:
0x19: {  	p1 =	sgt.u32 s7, $0x7F  }
0x1a: {  	s16 =	sxor.u32 @!p1 $0xFFFFFFFF, s7;
	s17 =	sshll.u32 @!p1 s8, $0x3  }
0x1b: {  	s18 =	sshll.u32 @!p1 s9, $0x7;
	s19 =	sand.u32 @!p1 $0x78, s8;
	s20 =	sshll.u32 @!p1 s11, $0x10  }
0x1c: {  	s21 =	sshll.u32 @!p1 s10, $0x9;
	s16 =	sshll.u32 @!p1 s16, $0xE;
	s18 =	sand.u32 @!p1 $0x380, s18  }
0x1d: {  	s17 =	sand.u32 @!p1 $0xC00, s17;
	s16 =	sand.u32 @!p1 $0x4000, s16;
	s18 =	sor.u32 @!p1 s19, s18  }
0x1e: {  	s19 =	sand.u32 @!p1 $0x7, s8;
	s17 =	sor.u32 @!p1 s17, s18;
	s18 =	sadd.s32 @!p1 s3, s20  }
0x1f: {  	s19 =	sshll.u32 @!p1 s19, $0x12;
	s17 =	sshrl.u32 @!p1 s17, $0x3;
	s18 =	sadd.s32 @!p1 s21, s18  }
0x20: {  	s17 =	sadd.s32 @!p1 s17, s18;
	s18 =	sor.u32 @!p1 $0x800, s19;
	s19 =	simm.s32 @!p1 $0x1000  }
0x21: {  	[tilespmem:s16], [sflag:$0x1] =	stream.strided.gather @!p1 [hbm4b:s17+s18], $0x4000, s19, s18, $0x38;
	[tilespmem:$0x10000] =	vst v63  }
0x22: {  	p1 =	seq.s32 s7, $0x0  }
0x23: {  	p2 =	seq.s32 @!p1 s7, $0x81  }
0x24: {  	p1 =	por p1, p2  }
.Ltmp2:
0x25: {  	_ = 	snop;
	(pc) =	sbr.rel @p1 .LBB1_7-.Ltmp2, $1  }
0x26: {  	_ =	sdelay $0x3  }
0x27: {  	s16 =	simm.s32 $0x1;
	_ =	swait.ge [sflag:s4], $0x4000  }
0x28: {  	s31 =	sshll.u32 s7, $0xE;
	s21 =	simm.s32 $0x0;
	p1 =	por $0x0, $0x0  }
0x29: {  	s22 =	simm.s32 $0x0;
	s23 =	simm.s32 $0x0;
	s16 =	simm.s32 @!p0 $0x0  }
0x2a: {  	[sflag:s4] =	ssyncset.done $0x0;
	s19 =	sand.u32 $0x4000, s31;
	s16 =	sshll.u32 s16, $0x10  }
0x2b: {  	[sflag:s4] =	ssyncadd.s32 $0xFFFFC000;
	s20 =	sshrl.u32 s16, $0x2;
	s16 =	sor.u32 $0x8000, s19  }
0x2c: {  	s17 =	sor.u32 $0x40, s20;
	s18 =	sor.u32 $0x8410, s20;
	s20 =	sadd.s32 $0x8400, s20  }
.LBB1_3:
0x2d: {  	v1 =	vld [tilespmem:s17+$0xFFFFFFD0]  }
0x2e: {  	v2 =	vld [tilespmem:s17+$0x430]  }
0x2f: {  	s24 =	sshll.u32 s23, $0xB;
	v4 =	vld [tilespmem:s17+$0xFFFFFFE0]  }
0x30: {  	v7 =	vld [tilespmem:s17+$0xFFFFFFF0];
	v0 =	vmov s24  }
0x31: {  	v8 =	vld [tilespmem:s17+$0x0]  }
0x32: {  	s30 =	sand.u32 $0x300, s21;
	v9 =	vld [tilespmem:s17+$0x10]  }
0x33: {  	s25 =	sand.u32 $0x80, s21;
	v10 =	vld [tilespmem:s17+$0x20];
	s24 =	sadd.s32 s30, s19  }
0x34: {  	v11 =	vld [tilespmem:s17+$0x30];
	s24 =	sadd.s32 s25, s24;
	s25 =	simm.s32 $0x1;
	[tilespmem:s18+$0x60] =	vst v2  }
0x35: {  	s31 =	sshll.u32 s22, $0x2;
	s25 =	simm.s32 @!p1 $0x0;
	[tilespmem:s18+$0xFFFFFC00] =	vst v1;
	v3 =	vld.idx.msk [tilespmem:v0+s24+$0x400 ss:$0x1], $0xffff  }
0x36: {  	v6 =	vld [tilespmem:s17+$0x3D0];
	s25 =	sshll.u32 s25, $0x9;
	[tilespmem:s18+$0xFFFFFC10] =	vst v4;
	s24 =	sand.u32 $0xFFFFFC00, s31  }
0x37: {  	v5 =	vld [tilespmem:s17+$0x3E0];
	[tilespmem:s18+$0xFFFFFC20] =	vst v7;
	s24 =	sor.u32 s25, s24  }
0x38: {  	[tilespmem:s18+$0xFFFFFC30] =	vst v8;
	v4 =	vld [tilespmem:s17+$0x400];
	s24 =	sshrl.u32 s24, $0x2  }
0x39: {  	[tilespmem:s18+$0xFFFFFC40] =	vst v9;
	v1 =	vld [tilespmem:s17+$0x410];
	s24 =	sadd.s32 s24, s20  }
0x3a: {  	[tilespmem:s24+$0x0] =	vst v3;
	v3 =	vld [tilespmem:s17+$0x3F0]  }
0x3b: {  	s28 =	simm.s32 $0x80;
	s27 =	simm.s32 $0x100;
	[tilespmem:s18+$0xFFFFFC50] =	vst v10;
	v2 =	vld [tilespmem:s17+$0x420]  }
0x3c: {  	s26 =	smov.u32 s18;
	s29 =	sand.u32 $0x300, s28;
	v7 =	vld [tilespmem:s17+$0xFFFFFFC0];
	[tilespmem:s18+$0xFFFFFC60] =	vst v11;
	s25 =	sadd.s32 $0x80, s17  }
.LBB1_4:
0x3d: {  	p2 =	sne.s32 s27, $0x380;
	v8 =	vld [tilespmem:s25+$0xFFFFFFD0];
	s28 =	sand.u32 $0x80, s28;
	s29 =	sadd.s32 s29, s19;
	[tilespmem:s26+$0x0] =	vst v6  }
0x3e: {  	s29 =	sadd.s32 s28, s29;
	v6 =	vld [tilespmem:s25+$0x430];
	[tilespmem:s26+$0x10] =	vst v5;
	s28 =	smov.u32 s27  }
0x3f: {  	v5 =	vld.idx.msk [tilespmem:v0+s29+$0x400 ss:$0x1], $0xffff;
	[tilespmem:s26+$0x20] =	vst v3  }
0x40: {  	v3 =	vld [tilespmem:s25+$0xFFFFFFE0];
	[tilespmem:s26+$0x30] =	vst v4  }
0x41: {  	v4 =	vld [tilespmem:s25+$0xFFFFFFF0];
	[tilespmem:s26+$0xFFFFFBF0] =	vst v7  }
0x42: {  	v7 =	vld [tilespmem:s25+$0x0];
	[tilespmem:s26+$0x40] =	vst v1  }
0x43: {  	v1 =	vld [tilespmem:s25+$0x10];
	[tilespmem:s26+$0x50] =	vst v2;
	s26 =	sadd.s32 $0x800, s26  }
0x44: {  	s24 =	sadd.s32 $0x800, s24;
	v2 =	vld [tilespmem:s25+$0x20];
	[tilespmem:s26+$0x60] =	vst v6  }
0x45: {  	v9 =	vld [tilespmem:s25+$0x30];
	[tilespmem:s24+$0x0] =	vst v5  }
0x46: {  	[tilespmem:s26+$0xFFFFFC00] =	vst v8;
	v6 =	vld [tilespmem:s25+$0x3D0]  }
0x47: {  	[tilespmem:s26+$0xFFFFFC10] =	vst v3;
	v5 =	vld [tilespmem:s25+$0x3E0]  }
.Ltmp3:
0x48: {  	[tilespmem:s26+$0xFFFFFC20] =	vst v4;
	v3 =	vld [tilespmem:s25+$0x3F0];
	(pc) =	sbr.rel @p2 .LBB1_4-.Ltmp3, $4  }
0x49: {  	[tilespmem:s26+$0xFFFFFC30] =	vst v7;
	v4 =	vld [tilespmem:s25+$0x400]  }
0x4a: {  	[tilespmem:s26+$0xFFFFFC40] =	vst v1;
	v1 =	vld [tilespmem:s25+$0x410]  }
0x4b: {  	[tilespmem:s26+$0xFFFFFC50] =	vst v2;
	v2 =	vld [tilespmem:s25+$0x420]  }
0x4c: {  	s27 =	sadd.s32 $0x80, s27;
	s29 =	sand.u32 $0x300, s28;
	v7 =	vld [tilespmem:s25+$0xFFFFFFC0];
	[tilespmem:s26+$0xFFFFFC60] =	vst v9;
	s25 =	sadd.s32 $0x80, s25  }
0x4d: {  	[tilespmem:s26+$0x0] =	vst v6  }
0x4e: {  	[tilespmem:s26+$0x10] =	vst v5  }
0x4f: {  	v49 =	vld [tilespmem:s25+$0x430];
	[tilespmem:s26+$0x20] =	vst v3  }
0x50: {  	v50 =	vld [tilespmem:s25+$0xFFFFFFD0];
	[tilespmem:s26+$0x30] =	vst v4  }
0x51: {  	v51 =	vld [tilespmem:s25+$0xFFFFFFE0];
	[tilespmem:s26+$0x40] =	vst v1  }
0x52: {  	v52 =	vld [tilespmem:s25+$0xFFFFFFF0];
	[tilespmem:s26+$0x50] =	vst v2  }
0x53: {  	s31 =	sadd.s32 $0x800, s26;
	v53 =	vld [tilespmem:s25+$0x0];
	[tilespmem:s26+$0xFFFFFBF0] =	vst v7  }
0x54: {  	v54 =	vld [tilespmem:s25+$0x10];
	[tilespmem:s31+$0x60] =	vst v49  }
0x55: {  	v55 =	vld [tilespmem:s25+$0x20];
	[tilespmem:s31+$0xFFFFFC00] =	vst v50  }
0x56: {  	v56 =	vld [tilespmem:s25+$0x30];
	[tilespmem:s31+$0xFFFFFC10] =	vst v51  }
0x57: {  	v57 =	vld [tilespmem:s25+$0x3D0];
	[tilespmem:s31+$0xFFFFFC20] =	vst v52  }
0x58: {  	v58 =	vld [tilespmem:s25+$0x3E0];
	[tilespmem:s31+$0xFFFFFC30] =	vst v53  }
0x59: {  	v59 =	vld [tilespmem:s25+$0x3F0];
	[tilespmem:s31+$0xFFFFFC40] =	vst v54  }
0x5a: {  	v60 =	vld [tilespmem:s25+$0x400];
	[tilespmem:s31+$0xFFFFFC50] =	vst v55  }
0x5b: {  	v61 =	vld [tilespmem:s25+$0xFFFFFFC0];
	[tilespmem:s31+$0xFFFFFC60] =	vst v56  }
0x5c: {  	s27 =	sand.u32 $0x80, s28;
	s30 =	sadd.s32 s29, s19;
	v62 =	vld [tilespmem:s25+$0x410];
	[tilespmem:s31+$0x0] =	vst v57  }
0x5d: {  	v63 =	vld [tilespmem:s25+$0x420];
	s23 =	sadd.s32 $0x1, s23;
	s27 =	sadd.s32 s27, s30;
	[tilespmem:s31+$0x10] =	vst v58  }
0x5e: {  	p2 =	sne.s32 s23, $0x8;
	v0 =	vld.idx.msk [tilespmem:v0+s27+$0x400 ss:$0x1], $0xffff;
	[tilespmem:s31+$0x20] =	vst v59  }
.Ltmp4:
0x5f: {  	[tilespmem:s31+$0x30] =	vst v60;
	(pc) =	sbr.rel @p2 .LBB1_3-.Ltmp4, $4  }
0x60: {  	[tilespmem:s31+$0xFFFFFBF0] =	vst v61  }
0x61: {  	[tilespmem:s31+$0x40] =	vst v62  }
0x62: {  	s24 =	sadd.s32 $0x800, s24;
	s17 =	sadd.s32 $0x800, s17;
	[tilespmem:s31+$0x50] =	vst v63  }
0x63: {  	s22 =	sadd.s32 $0x80, s22;
	p1 =	por !p1, !p1;
	s18 =	sadd.s32 $0x80, s18;
	[tilespmem:s24+$0x0] =	vst v0  }
0x64: {  	s17 =	sand.u32 $0x78, s12  }
0x65: {  	s18 =	sshll.u32 s15, $0x9;
	s19 =	sshll.u32 s12, $0x3;
	s27 =	sshll.u32 s15, $0x7  }
0x66: {  	s14 =	sshll.u32 s14, $0x10;
	s13 =	sshll.u32 s13, $0xD;
	s30 =	sand.u32 $0x7, s12  }
0x67: {  	s18 =	sand.u32 $0xF000, s18;
	s19 =	sand.u32 $0xFC00, s19;
	s28 =	sand.u32 $0x200, s27  }
0x68: {  	s15 =	sand.u32 $0x180, s27;
	s14 =	sadd.s32 s2, s14;
	s18 =	sadd.s32 s18, s19  }
.Ltmp5:
0x69: {  	s15 =	sor.u32 s15, s17;
	s18 =	sor.u32 s28, s18;
	(pc) =	sbr.rel .LBB1_7-.Ltmp5, $4  }
0x6a: {  	s13 =	sadd.s32 s13, s14;
	s15 =	sshrl.u32 s15, $0x3;
	s29 =	sshrl.u32 s18, $0x3  }
0x6b: {  	s12 =	sshll.u32 s30, $0x12;
	s13 =	sadd.s32 s15, s13;
	s31 =	sand.u32 $0x1FC0, s29  }
0x6c: {  	s12 =	sor.u32 $0x800, s12;
	s13 =	sadd.s32 s31, s13  }
0x6d: {  	[hbm4b:s13+s12] =	stream.strided.scatter [tilespmem:s16], [sflag:$0x2], $0x4000, s6, s12, $0x38;
	[tilespmem:$0x10000] =	vst v63  }
.LBB1_8:
0x6e: {  	_ =	sfence.sel $0x180000  }
0x6f: {  	s2 =	simm.s32 $0x1;
	[bflag:$0x0] =	sbarrier.arrive $0xFFFF  }
0x70: {  	s31 =	simm.s32 $0x2;
	[sflag:s2] =	ssyncpa.u1 $0x1  }
0x71: {  	[sflag:s31] =	ssyncpa.u1 $0x1  }
0x72: {  	p0 =	sne.s32 s1, $0x0;
	_ =	strace $0x90000047  }
0x73: {  	s0 =	sadd.s32 @!p0 $0x100000, s0;
	[bflag:$0x2] =	sbarrier.arrive $0xFFFF  }
0x74: {  	[sflag:s0] =	ssyncadd.tile.s32 @!p0 $0x1;
	_ =	shalt  }
.Lfunc_end1:
_tile_overlayer_lowered:
.L_overlay_start_2:
0x75: {  	(tag) =	ssettag $0x2  }
0x76: {  	s0 =	rddreg [dreg:$0x0];
	s2 =	stileid.u32  }
0x77: {  	s1 =	rddreg [dreg:$0x1];
	p0 =	sne.s32 s2, $0x0  }
0x78: {  	s3 =	rddreg [dreg:$0x2];
	[bflag:$0x3] =	sbarrier.arrive $0xFFFF;
	s2 =	simm.s32 @!p0 $0x1C01  }
0x79: {  	[timem:s3], [sflag:s2] =	dma.local @!p0 [hbm:s0], s1  }
0x7a: {  	s0 =	simm.s32 @!p0 $0x1  }
0x7b: {  	_ =	swait.ge @!p0 [sflag:s0], s1  }
0x7c: {  	s1 =	ssub.s32 @!p0 $0x0, s1;
	[sflag:s0] =	ssyncset.done @!p0 $0x0  }
0x7d: {  	[sflag:s0] =	ssyncadd.s32 @!p0 s1  }
0x7e: {  	[bflag:$0x3] =	sbarrier.arrive $0xFFFF  }
0x7f: {  	_ =	shalt  }

</sc_bundles>
